<compile_context>
chip_gen: v7x
topology: tpu7x:2x2x1
jax: 0.10.2.dev20260603
libtpu: 0.0.44.dev20260713+nightly
codegen_flags: <defaults>
</compile_context>

<pallas_src>
import functools

import jax
import jax.numpy as jnp
from jax import lax
from jax.experimental import pallas as pl
from jax.experimental.pallas import tpu as pltpu
from jax.experimental.pallas import tpu_sc as plsc

_TOPK = 5
_PAD = 8
_KTILE = 2048
_NEG = -1e30


def _extract_topk(s, col, topk):
    big = 3e38
    tv, ta = [], []
    pm = pa = None
    for i in range(topk):
        if i == 0:
            m = jnp.max(s, axis=1)
            a = jnp.min(jnp.where(s == m[:, None], col, big), axis=1)
        else:
            remain = (s < pm[:, None]) | ((s == pm[:, None])
                                          & (col > pa[:, None]))
            m = jnp.max(jnp.where(remain, s, _NEG), axis=1)
            a = jnp.min(jnp.where((s == m[:, None]) & remain, col, big),
                        axis=1)
        tv.append(m)
        ta.append(a)
        pm, pa = m, a
    return tv, ta


def _topk_tile_body(x_ref, bank_ref, vals_ref, idx_ref,
                    *, k_actual, ktile, q, topk):
    t = pl.program_id(0)

    x = x_ref[...]
    xn = x / jnp.maximum(jnp.sqrt(jnp.sum(x * x, axis=1, keepdims=True)), 1e-8)
    b = bank_ref[...]
    bn = b / jnp.maximum(jnp.sqrt(jnp.sum(b * b, axis=1, keepdims=True)), 1e-8)
    s = lax.dot_general(xn, bn, (((1,), (1,)), ((), ())),
                        preferred_element_type=jnp.float32)

    col1 = lax.broadcasted_iota(jnp.int32, (1, ktile), 1)
    s = jnp.where(col1 < (k_actual - t * ktile), s, _NEG)

    col = lax.broadcasted_iota(jnp.int32, (q, ktile), 1).astype(jnp.float32)
    tv, ta = _extract_topk(s, col, topk)
    padv = [jnp.full((q,), _NEG, jnp.float32)] * (_PAD - topk)
    base = (t * ktile).astype(jnp.float32)
    vals_ref[0] = jnp.stack(tv + padv, axis=1)
    padz = [jnp.zeros((q,), jnp.float32)] * (_PAD - topk)
    idx_ref[0] = jnp.stack([a + base for a in ta]
                           + padz, axis=1).astype(jnp.int32)


def _topk_tile_call(x, bank, k_actual):
    q, d = x.shape
    nt = -(-k_actual // _KTILE)
    body = functools.partial(_topk_tile_body, k_actual=k_actual, ktile=_KTILE,
                             q=q, topk=_TOPK)
    return pl.pallas_call(
        body,
        grid=(nt,),
        in_specs=[
            pl.BlockSpec((q, d), lambda t: (0, 0)),
            pl.BlockSpec((_KTILE, d), lambda t: (t, 0)),
        ],
        out_specs=[
            pl.BlockSpec((1, q, _PAD), lambda t: (t, 0, 0)),
            pl.BlockSpec((1, q, _PAD), lambda t: (t, 0, 0)),
        ],
        out_shape=[
            jax.ShapeDtypeStruct((nt, q, _PAD), jnp.float32),
            jax.ShapeDtypeStruct((nt, q, _PAD), jnp.int32),
        ],
        compiler_params=pltpu.CompilerParams(
            dimension_semantics=("arbitrary",)),
    )(x, bank)


def _topk_merge_body(cv_ref, ci_ref, vals_ref, idx_ref, *, q, width, topk):
    cv = cv_ref[...]
    ci = ci_ref[...]
    lane = lax.broadcasted_iota(jnp.int32, (q, width), 1).astype(jnp.float32)
    tv, ta = _extract_topk(cv, lane, topk)
    nv, ni = [], []
    for m, a in zip(tv, ta):
        nv.append(m)
        ni.append(jnp.sum(jnp.where(lane == a[:, None], ci, 0), axis=1))
    padv = [jnp.full((q,), _NEG, jnp.float32)] * (_PAD - topk)
    padi = [jnp.zeros((q,), jnp.int32)] * (_PAD - topk)
    vals_ref[...] = jnp.stack(nv + padv, axis=1)
    idx_ref[...] = jnp.stack(ni + padi, axis=1)


def _topk_merge_call(cand_vals, cand_idx):
    q, width = cand_vals.shape
    body = functools.partial(_topk_merge_body, q=q, width=width, topk=_TOPK)
    return pl.pallas_call(
        body,
        out_shape=[
            jax.ShapeDtypeStruct((q, _PAD), jnp.float32),
            jax.ShapeDtypeStruct((q, _PAD), jnp.int32),
        ],
    )(cand_vals, cand_idx)


def _topk_call(x, bank, k_actual):
    q = x.shape[0]
    tvals, tidx = _topk_tile_call(x, bank, k_actual)
    nt = tvals.shape[0]
    cv = tvals.transpose(1, 0, 2).reshape(q, nt * _PAD)
    ci = tidx.transpose(1, 0, 2).reshape(q, nt * _PAD)
    return _topk_merge_call(cv, ci)


def _gather_body(feat_hbm, img_hbm, mask_hbm, idx_hbm,
                 out_f, out_i, out_m,
                 idx_v, fv, iv, mv, semf, semi, semm,
                 *, per_worker, chunk, num_cores):
    wid = lax.axis_index("s") * num_cores + lax.axis_index("c")
    base = wid * per_worker
    for j in range(per_worker // chunk):
        off = base + j * chunk
        pltpu.sync_copy(idx_hbm.at[pl.ds(off, chunk)], idx_v)
        cf = pltpu.async_copy(feat_hbm.at[idx_v], fv, semf)
        ci = pltpu.async_copy(img_hbm.at[idx_v], iv, semi)
        cm = pltpu.async_copy(mask_hbm.at[idx_v], mv, semm)
        cf.wait()
        ci.wait()
        cm.wait()
        pltpu.sync_copy(fv, out_f.at[pl.ds(off, chunk)])
        pltpu.sync_copy(iv, out_i.at[pl.ds(off, chunk)])
        pltpu.sync_copy(mv, out_m.at[pl.ds(off, chunk)])


def _gather_call(feat, img, mask16, idx_flat):
    n = idx_flat.shape[0]
    d = feat.shape[1]
    dm = mask16.shape[1]
    info = plsc.get_sparse_core_info()
    nw = info.num_cores * info.num_subcores
    per_worker = n // nw
    chunk = per_worker
    while chunk > 128 or chunk % 8 != 0:
        chunk //= 2
    mesh = plsc.VectorSubcoreMesh(core_axis_name="c", subcore_axis_name="s")
    body = functools.partial(_gather_body, per_worker=per_worker, chunk=chunk,
                             num_cores=info.num_cores)
    gk = pl.kernel(
        body,
        mesh=mesh,
        out_type=[
            jax.ShapeDtypeStruct((n, d), jnp.float32),
            jax.ShapeDtypeStruct((n, d), jnp.float32),
            jax.ShapeDtypeStruct((n, dm), jnp.float32),
        ],
        scratch_types=[
            pltpu.VMEM((chunk,), jnp.int32),
            pltpu.VMEM((chunk, d), jnp.float32),
            pltpu.VMEM((chunk, d), jnp.float32),
            pltpu.VMEM((chunk, dm), jnp.float32),
            pltpu.SemaphoreType.DMA,
            pltpu.SemaphoreType.DMA,
            pltpu.SemaphoreType.DMA,
        ],
        compiler_params=pltpu.CompilerParams(use_tc_tiling_on_sc=False),
    )
    return gk(feat, img, mask16, idx_flat)


def _fuse_body(x_ref, gf_ref, r0_ref, valid_ref, out_ref, *, topk, d):
    v = valid_ref[0:1, :]
    r0 = r0_ref[0:1, :]
    rates = jnp.sum(r0 * v) / jnp.sum(v)
    e = jnp.exp(r0) * v
    w = rates * e / jnp.sum(e)
    acc = x_ref[...] * (1.0 - rates)
    for j in range(topk):
        acc = acc + gf_ref[:, j * d:(j + 1) * d] * w[0:1, j:j + 1]
    out_ref[...] = acc


def _fuse_call(x, gf2, r0, valid):
    q, d = x.shape
    return pl.pallas_call(
        functools.partial(_fuse_body, topk=_TOPK, d=d),
        out_shape=jax.ShapeDtypeStruct((q, d), jnp.float32),
    )(x, gf2, r0, valid)


def kernel(x, feature_bank, image_bank, mask_bank, top_k):
    q, d = x.shape
    k = feature_bank.shape[0]
    mc = mask_bank.shape[1]

    vals, idx = _topk_call(x, feature_bank, k)

    outall = idx[:, :_TOPK]
    idx_flat = outall.reshape(-1)

    mask16 = jnp.pad(mask_bank, ((0, 0), (0, 16 - mc)))
    gf_flat, gi_flat, gm_flat = _gather_call(
        feature_bank, image_bank, mask16, idx_flat)

    valid = (jnp.arange(_PAD)[None, :] < jnp.minimum(top_k, _TOPK)
             ).astype(jnp.float32)
    r0 = lax.dynamic_slice(vals, (0, 0), (1, _PAD))
    out = _fuse_call(x, gf_flat.reshape(q, _TOPK * d), r0, valid)

    gathered_feat = gf_flat.reshape(q, _TOPK, d)
    gathered_img = gi_flat.reshape(q, _TOPK, d)
    gathered_mask = gm_flat.reshape(q, _TOPK, 16)[:, :, :mc]
    return out, gathered_feat, gathered_img, gathered_mask

# --- scband reference (transcript-rebuilt; emitter-appended) ---
"""Pipeline reference for scband-tta-65180423684479 (READ-ONLY COPY).

The authoritative reference and input builder live on the scoring server;
editing this copy changes nothing except your own understanding.
"""

import jax, jax.numpy as jnp
import numpy as np

Q, K, D = 1024, 100000, 64
MASK_C = 4
TOPK = 5


def setup_inputs(seed: int = 0) -> dict:
    key = jax.random.key(seed)
    k1, k2, k3, k4 = jax.random.split(key, 4)
    x = jax.random.normal(k1, (Q, D), dtype=jnp.float32)
    feature_bank = jax.random.normal(k2, (K, D), dtype=jnp.float32)
    image_bank = jax.random.uniform(k3, (K, D), dtype=jnp.float32)
    mask_bank = jax.random.uniform(k4, (K, MASK_C), dtype=jnp.float32)
    return {"x": x, "feature_bank": feature_bank, "image_bank": image_bank,
            "mask_bank": mask_bank, "top_k": TOPK}


def _cosine_sim(x, bank, eps=1e-8):
    # matches torch.nn.functional.cosine_similarity(x.unsqueeze(1), bank.unsqueeze(0), dim=2)
    xn = x / jnp.maximum(jnp.linalg.norm(x, axis=1, keepdims=True), eps)
    bn = bank / jnp.maximum(jnp.linalg.norm(bank, axis=1, keepdims=True), eps)
    return xn @ bn.T  # [Q, K]


def reference(x, feature_bank, image_bank, mask_bank, top_k):
    # Prototype_Pool.get_pool_feature (bank non-empty, bank size >= top_k)
    cs = _cosine_sim(x, feature_bank)                       # [Q, K]
    outall = jnp.argsort(-cs, axis=1)[:, :TOPK]             # argsort descending, keep top_k: [Q, top_k]
    valid = (jnp.arange(TOPK) < top_k).astype(cs.dtype)     # [top_k]
    row0 = cs[0][outall[0]]                                 # [top_k] (uses query 0, faithful to original)
    rates = jnp.sum(row0 * valid) / jnp.sum(valid)          # scalar
    weight = rates * jnp.exp(row0) * valid / jnp.sum(jnp.exp(row0) * valid)  # [top_k]
    out = x * (1.0 - rates)
    gathered_feat = jnp.take(feature_bank, outall, axis=0)  # [Q, top_k, D]
    # loop: x += feature_bank[outall[:, i]] * weight[i]
    out = out + jnp.sum(gathered_feat * weight[None, :, None], axis=1)
    gathered_img = jnp.take(image_bank, outall, axis=0)     # [Q, top_k, D]
    gathered_mask = jnp.take(mask_bank, outall, axis=0)     # [Q, top_k, MASK_C]
    return out, gathered_feat, gathered_img, gathered_mask

if __name__ == "__main__":
    import jax
    _d = setup_inputs()
    print(jax.jit(kernel)(*tuple(_d.values())))

</pallas_src>

<mosaic_0001>
#map = affine_map<(d0, d1) -> (0, 0)>
#map1 = affine_map<(d0, d1) -> (0)>
module attributes {stable_mosaic.version = 14 : i64} {
  func.func @_gather_body(%arg0: i32, %arg1: i32, %arg2: memref<100000x64xf32, #tpu.memory_space<hbm>>, %arg3: memref<100000x64xf32, #tpu.memory_space<hbm>>, %arg4: memref<100000x16xf32, #tpu.memory_space<hbm>>, %arg5: memref<5120xi32, #tpu.memory_space<hbm>>, %arg6: memref<5120x64xf32, #tpu.memory_space<hbm>>, %arg7: memref<5120x64xf32, #tpu.memory_space<hbm>>, %arg8: memref<5120x16xf32, #tpu.memory_space<hbm>>, %arg9: memref<80xi32, #tpu.memory_space<vmem>>, %arg10: memref<80x64xf32, #tpu.memory_space<vmem>>, %arg11: memref<80x64xf32, #tpu.memory_space<vmem>>, %arg12: memref<80x16xf32, #tpu.memory_space<vmem>>, %arg13: memref<!tpu.dma_semaphore, #tpu.memory_space<semaphore_mem>>, %arg14: memref<!tpu.dma_semaphore, #tpu.memory_space<semaphore_mem>>, %arg15: memref<!tpu.dma_semaphore, #tpu.memory_space<semaphore_mem>>) attributes {dimension_semantics = [#tpu.dimension_semantics<core_parallel>, #tpu.dimension_semantics<subcore_parallel>], iteration_bounds = array<i64: 2, 16>, scalar_prefetch = 0 : i64, scratch_operands = 7 : i64, tpu.core_type = #tpu.core_type<sc_vector_subcore>, window_params = [{transform_indices = #map}, {transform_indices = #map}, {transform_indices = #map}, {transform_indices = #map1}, {transform_indices = #map}, {transform_indices = #map}, {transform_indices = #map}]} {
    %mul3A = arith.constant 2 : i32
    %mul3A_0 = arith.muli %arg1, %mul3A : i32
    %add3A = arith.addi %mul3A_0, %arg0 : i32
    %mul3A_1 = arith.constant 160 : i32
    %mul3A_2 = arith.muli %add3A, %mul3A_1 : i32
    %add3A_3 = arith.constant 0 : i32
    %add3A_4 = arith.addi %mul3A_2, %add3A_3 : i32
    "tpu.region"() ({
      %run_scoped3A = tpu.sem_alloc : memref<!tpu.dma_semaphore, #tpu.memory_space<semaphore_mem>>
      %dma_start3A_41 = tpu.memref_slice %arg5[%add3A_4] : memref<5120xi32, #tpu.memory_space<hbm>> -> memref<80xi32, #tpu.memory_space<hbm>>
      %dma_start3A_42 = tpu.memref_slice %arg5[%add3A_4] : memref<5120xi32, #tpu.memory_space<hbm>> -> memref<80xi32, #tpu.memory_space<hbm>>
      tpu.enqueue_dma source(%dma_start3A_42 : memref<80xi32, #tpu.memory_space<hbm>>) target(%arg9 : memref<80xi32, #tpu.memory_space<vmem>>) target_semaphore(%run_scoped3A : memref<!tpu.dma_semaphore, #tpu.memory_space<semaphore_mem>>)
      %dma_wait3A_43 = tpu.memref_slice %arg5[%add3A_4] : memref<5120xi32, #tpu.memory_space<hbm>> -> memref<80xi32, #tpu.memory_space<hbm>>
      %dma_wait3A_44 = tpu.memref_slice %arg5[%add3A_4] : memref<5120xi32, #tpu.memory_space<hbm>> -> memref<80xi32, #tpu.memory_space<hbm>>
      tpu.wait_dma2 semaphore(%run_scoped3A : memref<!tpu.dma_semaphore, #tpu.memory_space<semaphore_mem>>) src(%dma_wait3A_44 : memref<80xi32, #tpu.memory_space<hbm>>) dst(%arg9 : memref<80xi32, #tpu.memory_space<vmem>>)
      tpu.yield
    }) : () -> ()
    %dma_start3A = arith.constant 0 : i32
    %dma_start3A_5 = arith.constant 0 : i32
    %dma_start3A_6 = tpu.memref_slice %arg2[%dma_start3A, %dma_start3A_5] : memref<100000x64xf32, #tpu.memory_space<hbm>> -> memref<100000x64xf32, #tpu.memory_space<hbm>>
    tpu.enqueue_indirect_dma source(%dma_start3A_6 : memref<100000x64xf32, #tpu.memory_space<hbm>>) target(%arg10 : memref<80x64xf32, #tpu.memory_space<vmem>>) offsets(%arg9 : memref<80xi32, #tpu.memory_space<vmem>>) semaphore(%arg13 : memref<!tpu.dma_semaphore, #tpu.memory_space<semaphore_mem>>)
    %dma_start3A_7 = arith.constant 0 : i32
    %dma_start3A_8 = arith.constant 0 : i32
    %dma_start3A_9 = tpu.memref_slice %arg3[%dma_start3A_7, %dma_start3A_8] : memref<100000x64xf32, #tpu.memory_space<hbm>> -> memref<100000x64xf32, #tpu.memory_space<hbm>>
    tpu.enqueue_indirect_dma source(%dma_start3A_9 : memref<100000x64xf32, #tpu.memory_space<hbm>>) target(%arg11 : memref<80x64xf32, #tpu.memory_space<vmem>>) offsets(%arg9 : memref<80xi32, #tpu.memory_space<vmem>>) semaphore(%arg14 : memref<!tpu.dma_semaphore, #tpu.memory_space<semaphore_mem>>)
    %dma_start3A_10 = arith.constant 0 : i32
    %dma_start3A_11 = arith.constant 0 : i32
    %dma_start3A_12 = tpu.memref_slice %arg4[%dma_start3A_10, %dma_start3A_11] : memref<100000x16xf32, #tpu.memory_space<hbm>> -> memref<100000x16xf32, #tpu.memory_space<hbm>>
    tpu.enqueue_indirect_dma source(%dma_start3A_12 : memref<100000x16xf32, #tpu.memory_space<hbm>>) target(%arg12 : memref<80x16xf32, #tpu.memory_space<vmem>>) offsets(%arg9 : memref<80xi32, #tpu.memory_space<vmem>>) semaphore(%arg15 : memref<!tpu.dma_semaphore, #tpu.memory_space<semaphore_mem>>)
    %dma_wait3A = arith.constant 0 : i32
    %dma_wait3A_13 = arith.constant 0 : i32
    %dma_wait3A_14 = tpu.memref_slice %arg2[%dma_wait3A, %dma_wait3A_13] : memref<100000x64xf32, #tpu.memory_space<hbm>> -> memref<100000x64xf32, #tpu.memory_space<hbm>>
    tpu.wait_indirect_dma semaphore(%arg13 : memref<!tpu.dma_semaphore, #tpu.memory_space<semaphore_mem>>) src(%dma_wait3A_14 : memref<100000x64xf32, #tpu.memory_space<hbm>>) dst(%arg10 : memref<80x64xf32, #tpu.memory_space<vmem>>)
    %dma_wait3A_15 = arith.constant 0 : i32
    %dma_wait3A_16 = arith.constant 0 : i32
    %dma_wait3A_17 = tpu.memref_slice %arg3[%dma_wait3A_15, %dma_wait3A_16] : memref<100000x64xf32, #tpu.memory_space<hbm>> -> memref<100000x64xf32, #tpu.memory_space<hbm>>
    tpu.wait_indirect_dma semaphore(%arg14 : memref<!tpu.dma_semaphore, #tpu.memory_space<semaphore_mem>>) src(%dma_wait3A_17 : memref<100000x64xf32, #tpu.memory_space<hbm>>) dst(%arg11 : memref<80x64xf32, #tpu.memory_space<vmem>>)
    %dma_wait3A_18 = arith.constant 0 : i32
    %dma_wait3A_19 = arith.constant 0 : i32
    %dma_wait3A_20 = tpu.memref_slice %arg4[%dma_wait3A_18, %dma_wait3A_19] : memref<100000x16xf32, #tpu.memory_space<hbm>> -> memref<100000x16xf32, #tpu.memory_space<hbm>>
    tpu.wait_indirect_dma semaphore(%arg15 : memref<!tpu.dma_semaphore, #tpu.memory_space<semaphore_mem>>) src(%dma_wait3A_20 : memref<100000x16xf32, #tpu.memory_space<hbm>>) dst(%arg12 : memref<80x16xf32, #tpu.memory_space<vmem>>)
    "tpu.region"() ({
      %run_scoped3A = tpu.sem_alloc : memref<!tpu.dma_semaphore, #tpu.memory_space<semaphore_mem>>
      %dma_start3A_41 = arith.constant 0 : i32
      %dma_start3A_42 = tpu.memref_slice %arg6[%add3A_4, %dma_start3A_41] : memref<5120x64xf32, #tpu.memory_space<hbm>> -> memref<80x64xf32, #tpu.memory_space<hbm>>
      %dma_start3A_43 = arith.constant 0 : i32
      %dma_start3A_44 = tpu.memref_slice %arg6[%add3A_4, %dma_start3A_43] : memref<5120x64xf32, #tpu.memory_space<hbm>> -> memref<80x64xf32, #tpu.memory_space<hbm>>
      tpu.enqueue_dma source(%arg10 : memref<80x64xf32, #tpu.memory_space<vmem>>) target(%dma_start3A_44 : memref<80x64xf32, #tpu.memory_space<hbm>>) target_semaphore(%run_scoped3A : memref<!tpu.dma_semaphore, #tpu.memory_space<semaphore_mem>>)
      %dma_wait3A_45 = arith.constant 0 : i32
      %dma_wait3A_46 = tpu.memref_slice %arg6[%add3A_4, %dma_wait3A_45] : memref<5120x64xf32, #tpu.memory_space<hbm>> -> memref<80x64xf32, #tpu.memory_space<hbm>>
      %dma_wait3A_47 = arith.constant 0 : i32
      %dma_wait3A_48 = tpu.memref_slice %arg6[%add3A_4, %dma_wait3A_47] : memref<5120x64xf32, #tpu.memory_space<hbm>> -> memref<80x64xf32, #tpu.memory_space<hbm>>
      tpu.wait_dma2 semaphore(%run_scoped3A : memref<!tpu.dma_semaphore, #tpu.memory_space<semaphore_mem>>) src(%arg10 : memref<80x64xf32, #tpu.memory_space<vmem>>) dst(%dma_wait3A_48 : memref<80x64xf32, #tpu.memory_space<hbm>>)
      tpu.yield
    }) : () -> ()
    "tpu.region"() ({
      %run_scoped3A = tpu.sem_alloc : memref<!tpu.dma_semaphore, #tpu.memory_space<semaphore_mem>>
      %dma_start3A_41 = arith.constant 0 : i32
      %dma_start3A_42 = tpu.memref_slice %arg7[%add3A_4, %dma_start3A_41] : memref<5120x64xf32, #tpu.memory_space<hbm>> -> memref<80x64xf32, #tpu.memory_space<hbm>>
      %dma_start3A_43 = arith.constant 0 : i32
      %dma_start3A_44 = tpu.memref_slice %arg7[%add3A_4, %dma_start3A_43] : memref<5120x64xf32, #tpu.memory_space<hbm>> -> memref<80x64xf32, #tpu.memory_space<hbm>>
      tpu.enqueue_dma source(%arg11 : memref<80x64xf32, #tpu.memory_space<vmem>>) target(%dma_start3A_44 : memref<80x64xf32, #tpu.memory_space<hbm>>) target_semaphore(%run_scoped3A : memref<!tpu.dma_semaphore, #tpu.memory_space<semaphore_mem>>)
      %dma_wait3A_45 = arith.constant 0 : i32
      %dma_wait3A_46 = tpu.memref_slice %arg7[%add3A_4, %dma_wait3A_45] : memref<5120x64xf32, #tpu.memory_space<hbm>> -> memref<80x64xf32, #tpu.memory_space<hbm>>
      %dma_wait3A_47 = arith.constant 0 : i32
      %dma_wait3A_48 = tpu.memref_slice %arg7[%add3A_4, %dma_wait3A_47] : memref<5120x64xf32, #tpu.memory_space<hbm>> -> memref<80x64xf32, #tpu.memory_space<hbm>>
      tpu.wait_dma2 semaphore(%run_scoped3A : memref<!tpu.dma_semaphore, #tpu.memory_space<semaphore_mem>>) src(%arg11 : memref<80x64xf32, #tpu.memory_space<vmem>>) dst(%dma_wait3A_48 : memref<80x64xf32, #tpu.memory_space<hbm>>)
      tpu.yield
    }) : () -> ()
    "tpu.region"() ({
      %run_scoped3A = tpu.sem_alloc : memref<!tpu.dma_semaphore, #tpu.memory_space<semaphore_mem>>
      %dma_start3A_41 = arith.constant 0 : i32
      %dma_start3A_42 = tpu.memref_slice %arg8[%add3A_4, %dma_start3A_41] : memref<5120x16xf32, #tpu.memory_space<hbm>> -> memref<80x16xf32, #tpu.memory_space<hbm>>
      %dma_start3A_43 = arith.constant 0 : i32
      %dma_start3A_44 = tpu.memref_slice %arg8[%add3A_4, %dma_start3A_43] : memref<5120x16xf32, #tpu.memory_space<hbm>> -> memref<80x16xf32, #tpu.memory_space<hbm>>
      tpu.enqueue_dma source(%arg12 : memref<80x16xf32, #tpu.memory_space<vmem>>) target(%dma_start3A_44 : memref<80x16xf32, #tpu.memory_space<hbm>>) target_semaphore(%run_scoped3A : memref<!tpu.dma_semaphore, #tpu.memory_space<semaphore_mem>>)
      %dma_wait3A_45 = arith.constant 0 : i32
      %dma_wait3A_46 = tpu.memref_slice %arg8[%add3A_4, %dma_wait3A_45] : memref<5120x16xf32, #tpu.memory_space<hbm>> -> memref<80x16xf32, #tpu.memory_space<hbm>>
      %dma_wait3A_47 = arith.constant 0 : i32
      %dma_wait3A_48 = tpu.memref_slice %arg8[%add3A_4, %dma_wait3A_47] : memref<5120x16xf32, #tpu.memory_space<hbm>> -> memref<80x16xf32, #tpu.memory_space<hbm>>
      tpu.wait_dma2 semaphore(%run_scoped3A : memref<!tpu.dma_semaphore, #tpu.memory_space<semaphore_mem>>) src(%arg12 : memref<80x16xf32, #tpu.memory_space<vmem>>) dst(%dma_wait3A_48 : memref<80x16xf32, #tpu.memory_space<hbm>>)
      tpu.yield
    }) : () -> ()
    %add3A_21 = arith.constant 80 : i32
    %add3A_22 = arith.addi %mul3A_2, %add3A_21 : i32
    "tpu.region"() ({
      %run_scoped3A = tpu.sem_alloc : memref<!tpu.dma_semaphore, #tpu.memory_space<semaphore_mem>>
      %dma_start3A_41 = tpu.memref_slice %arg5[%add3A_22] : memref<5120xi32, #tpu.memory_space<hbm>> -> memref<80xi32, #tpu.memory_space<hbm>>
      %dma_start3A_42 = tpu.memref_slice %arg5[%add3A_22] : memref<5120xi32, #tpu.memory_space<hbm>> -> memref<80xi32, #tpu.memory_space<hbm>>
      tpu.enqueue_dma source(%dma_start3A_42 : memref<80xi32, #tpu.memory_space<hbm>>) target(%arg9 : memref<80xi32, #tpu.memory_space<vmem>>) target_semaphore(%run_scoped3A : memref<!tpu.dma_semaphore, #tpu.memory_space<semaphore_mem>>)
      %dma_wait3A_43 = tpu.memref_slice %arg5[%add3A_22] : memref<5120xi32, #tpu.memory_space<hbm>> -> memref<80xi32, #tpu.memory_space<hbm>>
      %dma_wait3A_44 = tpu.memref_slice %arg5[%add3A_22] : memref<5120xi32, #tpu.memory_space<hbm>> -> memref<80xi32, #tpu.memory_space<hbm>>
      tpu.wait_dma2 semaphore(%run_scoped3A : memref<!tpu.dma_semaphore, #tpu.memory_space<semaphore_mem>>) src(%dma_wait3A_44 : memref<80xi32, #tpu.memory_space<hbm>>) dst(%arg9 : memref<80xi32, #tpu.memory_space<vmem>>)
      tpu.yield
    }) : () -> ()
    %dma_start3A_23 = arith.constant 0 : i32
    %dma_start3A_24 = arith.constant 0 : i32
    %dma_start3A_25 = tpu.memref_slice %arg2[%dma_start3A_23, %dma_start3A_24] : memref<100000x64xf32, #tpu.memory_space<hbm>> -> memref<100000x64xf32, #tpu.memory_space<hbm>>
    tpu.enqueue_indirect_dma source(%dma_start3A_25 : memref<100000x64xf32, #tpu.memory_space<hbm>>) target(%arg10 : memref<80x64xf32, #tpu.memory_space<vmem>>) offsets(%arg9 : memref<80xi32, #tpu.memory_space<vmem>>) semaphore(%arg13 : memref<!tpu.dma_semaphore, #tpu.memory_space<semaphore_mem>>)
    %dma_start3A_26 = arith.constant 0 : i32
    %dma_start3A_27 = arith.constant 0 : i32
    %dma_start3A_28 = tpu.memref_slice %arg3[%dma_start3A_26, %dma_start3A_27] : memref<100000x64xf32, #tpu.memory_space<hbm>> -> memref<100000x64xf32, #tpu.memory_space<hbm>>
    tpu.enqueue_indirect_dma source(%dma_start3A_28 : memref<100000x64xf32, #tpu.memory_space<hbm>>) target(%arg11 : memref<80x64xf32, #tpu.memory_space<vmem>>) offsets(%arg9 : memref<80xi32, #tpu.memory_space<vmem>>) semaphore(%arg14 : memref<!tpu.dma_semaphore, #tpu.memory_space<semaphore_mem>>)
    %dma_start3A_29 = arith.constant 0 : i32
    %dma_start3A_30 = arith.constant 0 : i32
    %dma_start3A_31 = tpu.memref_slice %arg4[%dma_start3A_29, %dma_start3A_30] : memref<100000x16xf32, #tpu.memory_space<hbm>> -> memref<100000x16xf32, #tpu.memory_space<hbm>>
    tpu.enqueue_indirect_dma source(%dma_start3A_31 : memref<100000x16xf32, #tpu.memory_space<hbm>>) target(%arg12 : memref<80x16xf32, #tpu.memory_space<vmem>>) offsets(%arg9 : memref<80xi32, #tpu.memory_space<vmem>>) semaphore(%arg15 : memref<!tpu.dma_semaphore, #tpu.memory_space<semaphore_mem>>)
    %dma_wait3A_32 = arith.constant 0 : i32
    %dma_wait3A_33 = arith.constant 0 : i32
    %dma_wait3A_34 = tpu.memref_slice %arg2[%dma_wait3A_32, %dma_wait3A_33] : memref<100000x64xf32, #tpu.memory_space<hbm>> -> memref<100000x64xf32, #tpu.memory_space<hbm>>
    tpu.wait_indirect_dma semaphore(%arg13 : memref<!tpu.dma_semaphore, #tpu.memory_space<semaphore_mem>>) src(%dma_wait3A_34 : memref<100000x64xf32, #tpu.memory_space<hbm>>) dst(%arg10 : memref<80x64xf32, #tpu.memory_space<vmem>>)
    %dma_wait3A_35 = arith.constant 0 : i32
    %dma_wait3A_36 = arith.constant 0 : i32
    %dma_wait3A_37 = tpu.memref_slice %arg3[%dma_wait3A_35, %dma_wait3A_36] : memref<100000x64xf32, #tpu.memory_space<hbm>> -> memref<100000x64xf32, #tpu.memory_space<hbm>>
    tpu.wait_indirect_dma semaphore(%arg14 : memref<!tpu.dma_semaphore, #tpu.memory_space<semaphore_mem>>) src(%dma_wait3A_37 : memref<100000x64xf32, #tpu.memory_space<hbm>>) dst(%arg11 : memref<80x64xf32, #tpu.memory_space<vmem>>)
    %dma_wait3A_38 = arith.constant 0 : i32
    %dma_wait3A_39 = arith.constant 0 : i32
    %dma_wait3A_40 = tpu.memref_slice %arg4[%dma_wait3A_38, %dma_wait3A_39] : memref<100000x16xf32, #tpu.memory_space<hbm>> -> memref<100000x16xf32, #tpu.memory_space<hbm>>
    tpu.wait_indirect_dma semaphore(%arg15 : memref<!tpu.dma_semaphore, #tpu.memory_space<semaphore_mem>>) src(%dma_wait3A_40 : memref<100000x16xf32, #tpu.memory_space<hbm>>) dst(%arg12 : memref<80x16xf32, #tpu.memory_space<vmem>>)
    "tpu.region"() ({
      %run_scoped3A = tpu.sem_alloc : memref<!tpu.dma_semaphore, #tpu.memory_space<semaphore_mem>>
      %dma_start3A_41 = arith.constant 0 : i32
      %dma_start3A_42 = tpu.memref_slice %arg6[%add3A_22, %dma_start3A_41] : memref<5120x64xf32, #tpu.memory_space<hbm>> -> memref<80x64xf32, #tpu.memory_space<hbm>>
      %dma_start3A_43 = arith.constant 0 : i32
      %dma_start3A_44 = tpu.memref_slice %arg6[%add3A_22, %dma_start3A_43] : memref<5120x64xf32, #tpu.memory_space<hbm>> -> memref<80x64xf32, #tpu.memory_space<hbm>>
      tpu.enqueue_dma source(%arg10 : memref<80x64xf32, #tpu.memory_space<vmem>>) target(%dma_start3A_44 : memref<80x64xf32, #tpu.memory_space<hbm>>) target_semaphore(%run_scoped3A : memref<!tpu.dma_semaphore, #tpu.memory_space<semaphore_mem>>)
      %dma_wait3A_45 = arith.constant 0 : i32
      %dma_wait3A_46 = tpu.memref_slice %arg6[%add3A_22, %dma_wait3A_45] : memref<5120x64xf32, #tpu.memory_space<hbm>> -> memref<80x64xf32, #tpu.memory_space<hbm>>
      %dma_wait3A_47 = arith.constant 0 : i32
      %dma_wait3A_48 = tpu.memref_slice %arg6[%add3A_22, %dma_wait3A_47] : memref<5120x64xf32, #tpu.memory_space<hbm>> -> memref<80x64xf32, #tpu.memory_space<hbm>>
      tpu.wait_dma2 semaphore(%run_scoped3A : memref<!tpu.dma_semaphore, #tpu.memory_space<semaphore_mem>>) src(%arg10 : memref<80x64xf32, #tpu.memory_space<vmem>>) dst(%dma_wait3A_48 : memref<80x64xf32, #tpu.memory_space<hbm>>)
      tpu.yield
    }) : () -> ()
    "tpu.region"() ({
      %run_scoped3A = tpu.sem_alloc : memref<!tpu.dma_semaphore, #tpu.memory_space<semaphore_mem>>
      %dma_start3A_41 = arith.constant 0 : i32
      %dma_start3A_42 = tpu.memref_slice %arg7[%add3A_22, %dma_start3A_41] : memref<5120x64xf32, #tpu.memory_space<hbm>> -> memref<80x64xf32, #tpu.memory_space<hbm>>
      %dma_start3A_43 = arith.constant 0 : i32
      %dma_start3A_44 = tpu.memref_slice %arg7[%add3A_22, %dma_start3A_43] : memref<5120x64xf32, #tpu.memory_space<hbm>> -> memref<80x64xf32, #tpu.memory_space<hbm>>
      tpu.enqueue_dma source(%arg11 : memref<80x64xf32, #tpu.memory_space<vmem>>) target(%dma_start3A_44 : memref<80x64xf32, #tpu.memory_space<hbm>>) target_semaphore(%run_scoped3A : memref<!tpu.dma_semaphore, #tpu.memory_space<semaphore_mem>>)
      %dma_wait3A_45 = arith.constant 0 : i32
      %dma_wait3A_46 = tpu.memref_slice %arg7[%add3A_22, %dma_wait3A_45] : memref<5120x64xf32, #tpu.memory_space<hbm>> -> memref<80x64xf32, #tpu.memory_space<hbm>>
      %dma_wait3A_47 = arith.constant 0 : i32
      %dma_wait3A_48 = tpu.memref_slice %arg7[%add3A_22, %dma_wait3A_47] : memref<5120x64xf32, #tpu.memory_space<hbm>> -> memref<80x64xf32, #tpu.memory_space<hbm>>
      tpu.wait_dma2 semaphore(%run_scoped3A : memref<!tpu.dma_semaphore, #tpu.memory_space<semaphore_mem>>) src(%arg11 : memref<80x64xf32, #tpu.memory_space<vmem>>) dst(%dma_wait3A_48 : memref<80x64xf32, #tpu.memory_space<hbm>>)
      tpu.yield
    }) : () -> ()
    "tpu.region"() ({
      %run_scoped3A = tpu.sem_alloc : memref<!tpu.dma_semaphore, #tpu.memory_space<semaphore_mem>>
      %dma_start3A_41 = arith.constant 0 : i32
      %dma_start3A_42 = tpu.memref_slice %arg8[%add3A_22, %dma_start3A_41] : memref<5120x16xf32, #tpu.memory_space<hbm>> -> memref<80x16xf32, #tpu.memory_space<hbm>>
      %dma_start3A_43 = arith.constant 0 : i32
      %dma_start3A_44 = tpu.memref_slice %arg8[%add3A_22, %dma_start3A_43] : memref<5120x16xf32, #tpu.memory_space<hbm>> -> memref<80x16xf32, #tpu.memory_space<hbm>>
      tpu.enqueue_dma source(%arg12 : memref<80x16xf32, #tpu.memory_space<vmem>>) target(%dma_start3A_44 : memref<80x16xf32, #tpu.memory_space<hbm>>) target_semaphore(%run_scoped3A : memref<!tpu.dma_semaphore, #tpu.memory_space<semaphore_mem>>)
      %dma_wait3A_45 = arith.constant 0 : i32
      %dma_wait3A_46 = tpu.memref_slice %arg8[%add3A_22, %dma_wait3A_45] : memref<5120x16xf32, #tpu.memory_space<hbm>> -> memref<80x16xf32, #tpu.memory_space<hbm>>
      %dma_wait3A_47 = arith.constant 0 : i32
      %dma_wait3A_48 = tpu.memref_slice %arg8[%add3A_22, %dma_wait3A_47] : memref<5120x16xf32, #tpu.memory_space<hbm>> -> memref<80x16xf32, #tpu.memory_space<hbm>>
      tpu.wait_dma2 semaphore(%run_scoped3A : memref<!tpu.dma_semaphore, #tpu.memory_space<semaphore_mem>>) src(%arg12 : memref<80x16xf32, #tpu.memory_space<vmem>>) dst(%dma_wait3A_48 : memref<80x16xf32, #tpu.memory_space<hbm>>)
      tpu.yield
    }) : () -> ()
    return
  }
}

module attributes {stable_mosaic.version = 14 : i64} {
  func.func @_topk_tile_body(%arg0: i32, %arg1: memref<1024x64xf32, #tpu.memory_space<vmem>>, %arg2: memref<2048x64xf32, #tpu.memory_space<vmem>>, %arg3: memref<1x1024x8xf32, #tpu.memory_space<vmem>>, %arg4: memref<1x1024x8xi32, #tpu.memory_space<vmem>>) attributes {dimension_semantics = [#tpu.dimension_semantics<arbitrary>], iteration_bounds = array<i64: 49>, scalar_prefetch = 0 : i64, scratch_operands = 0 : i64, tpu.core_type = #tpu.core_type<tc>, window_params = [{pipeline_mode = #tpu.pipeline_mode<synchronous>, transform_indices = @transform_0, window_bounds = array<i64: 1024, 64>}, {transform_indices = @transform_1, window_bounds = array<i64: 2048, 64>}, {transform_indices = @transform_2, window_bounds = array<i64: 1, 1024, 8>}, {transform_indices = @transform_3, window_bounds = array<i64: 1, 1024, 8>}]} {
    %get3A = arith.constant 0 : index
    %get3A_0 = arith.constant 0 : index
    %get3A_1 = vector.load %arg1[%get3A, %get3A_0] : memref<1024x64xf32, #tpu.memory_space<vmem>>, vector<1024x64xf32>
    %mul3A = arith.mulf %get3A_1, %get3A_1 : vector<1024x64xf32>
    %reduce_sum3A = arith.constant dense<0.000000e+00> : vector<1024xf32>
    %reduce_sum3A_2 = vector.multi_reduction <add>, %mul3A, %reduce_sum3A [1] : vector<1024x64xf32> to vector<1024xf32>
    %broadcast_in_dim3A = vector.shape_cast %reduce_sum3A_2 : vector<1024xf32> to vector<1024x1xf32>
    %sqrt3A = math.sqrt %broadcast_in_dim3A : vector<1024x1xf32>
    %max3A = arith.constant 9.99999993E-9 : f32
    %max3A_3 = vector.broadcast %max3A : f32 to vector<1024x1xf32>
    %max3A_4 = arith.maximumf %sqrt3A, %max3A_3 : vector<1024x1xf32>
    %div3A = vector.broadcast %max3A_4 : vector<1024x1xf32> to vector<1024x64xf32>
    %div3A_5 = arith.divf %get3A_1, %div3A : vector<1024x64xf32>
    %get3A_6 = arith.constant 0 : index
    %get3A_7 = arith.constant 0 : index
    %get3A_8 = vector.load %arg2[%get3A_6, %get3A_7] : memref<2048x64xf32, #tpu.memory_space<vmem>>, vector<2048x64xf32>
    %mul3A_9 = arith.mulf %get3A_8, %get3A_8 : vector<2048x64xf32>
    %reduce_sum3A_10 = arith.constant dense<0.000000e+00> : vector<2048xf32>
    %reduce_sum3A_11 = vector.multi_reduction <add>, %mul3A_9, %reduce_sum3A_10 [1] : vector<2048x64xf32> to vector<2048xf32>
    %broadcast_in_dim3A_12 = vector.shape_cast %reduce_sum3A_11 : vector<2048xf32> to vector<2048x1xf32>
    %sqrt3A_13 = math.sqrt %broadcast_in_dim3A_12 : vector<2048x1xf32>
    %max3A_14 = arith.constant 9.99999993E-9 : f32
    %max3A_15 = vector.broadcast %max3A_14 : f32 to vector<2048x1xf32>
    %max3A_16 = arith.maximumf %sqrt3A_13, %max3A_15 : vector<2048x1xf32>
    %div3A_17 = vector.broadcast %max3A_16 : vector<2048x1xf32> to vector<2048x64xf32>
    %div3A_18 = arith.divf %get3A_8, %div3A_17 : vector<2048x64xf32>
    %dot_general3A = arith.constant dense<0.000000e+00> : vector<1024x2048xf32>
    %dot_general3A_19 = tpu.matmul %div3A_5, %div3A_18, %dot_general3A {dimension_numbers = #tpu.dot_dimension_numbers<[1], [1], [0], [0], [0, 0, 1, 0], [], []>, transpose_lhs_hint = false} : vector<1024x64xf32>, vector<2048x64xf32>, vector<1024x2048xf32> -> vector<1024x2048xf32>
    %iota3A = tpu.iota {dimensions = array<i32: 1>} : vector<1x2048xi32>
    %mul3A_20 = arith.constant 2048 : i32
    %mul3A_21 = arith.muli %arg0, %mul3A_20 : i32
    %sub3A = arith.constant 100000 : i32
    %sub3A_22 = arith.subi %sub3A, %mul3A_21 : i32
    %lt3A = vector.broadcast %sub3A_22 : i32 to vector<1x2048xi32>
    %lt3A_23 = arith.cmpi slt, %iota3A, %lt3A : vector<1x2048xi32>
    %jit3A = arith.constant -1.000000e+30 : f32
    %broadcast_in_dim3A_24 = vector.shape_cast %lt3A_23 : vector<1x2048xi1> to vector<1x2048xi1>
    %broadcast_in_dim3A_25 = vector.broadcast %broadcast_in_dim3A_24 : vector<1x2048xi1> to vector<1024x2048xi1>
    %broadcast_in_dim3A_26 = vector.broadcast %jit3A : f32 to vector<1024x2048xf32>
    %select_n3A = arith.select %broadcast_in_dim3A_25, %dot_general3A_19, %broadcast_in_dim3A_26 : vector<1024x2048xi1>, vector<1024x2048xf32>
    %iota3A_27 = tpu.iota {dimensions = array<i32: 1>} : vector<1024x2048xi32>
    %convert_element_type3A = arith.sitofp %iota3A_27 : vector<1024x2048xi32> to vector<1024x2048xf32>
    %reduce_max3A = arith.constant dense<0xFF800000> : vector<1024xf32>
    %reduce_max3A_28 = vector.multi_reduction <maximumf>, %select_n3A, %reduce_max3A [1] : vector<1024x2048xf32> to vector<1024xf32>
    %broadcast_in_dim3A_29 = vector.shape_cast %reduce_max3A_28 : vector<1024xf32> to vector<1024x1xf32>
    %eq3A = vector.broadcast %broadcast_in_dim3A_29 : vector<1024x1xf32> to vector<1024x2048xf32>
    %eq3A_30 = arith.cmpf oeq, %select_n3A, %eq3A : vector<1024x2048xf32>
    %jit3A_31 = arith.constant 3.000000e+38 : f32
    %broadcast_in_dim3A_32 = vector.broadcast %jit3A_31 : f32 to vector<1024x2048xf32>
    %select_n3A_33 = arith.select %eq3A_30, %convert_element_type3A, %broadcast_in_dim3A_32 : vector<1024x2048xi1>, vector<1024x2048xf32>
    %reduce_min3A = arith.constant dense<0x7F800000> : vector<1024xf32>
    %reduce_min3A_34 = vector.multi_reduction <minimumf>, %select_n3A_33, %reduce_min3A [1] : vector<1024x2048xf32> to vector<1024xf32>
    %broadcast_in_dim3A_35 = vector.shape_cast %reduce_max3A_28 : vector<1024xf32> to vector<1024x1xf32>
    %lt3A_36 = vector.broadcast %broadcast_in_dim3A_35 : vector<1024x1xf32> to vector<1024x2048xf32>
    %lt3A_37 = arith.cmpf olt, %select_n3A, %lt3A_36 : vector<1024x2048xf32>
    %broadcast_in_dim3A_38 = vector.shape_cast %reduce_max3A_28 : vector<1024xf32> to vector<1024x1xf32>
    %eq3A_39 = vector.broadcast %broadcast_in_dim3A_38 : vector<1024x1xf32> to vector<1024x2048xf32>
    %eq3A_40 = arith.cmpf oeq, %select_n3A, %eq3A_39 : vector<1024x2048xf32>
    %broadcast_in_dim3A_41 = vector.shape_cast %reduce_min3A_34 : vector<1024xf32> to vector<1024x1xf32>
    %gt3A = vector.broadcast %broadcast_in_dim3A_41 : vector<1024x1xf32> to vector<1024x2048xf32>
    %gt3A_42 = arith.cmpf ogt, %convert_element_type3A, %gt3A : vector<1024x2048xf32>
    %and3A = arith.andi %eq3A_40, %gt3A_42 : vector<1024x2048xi1>
    %or3A = arith.ori %lt3A_37, %and3A : vector<1024x2048xi1>
    %jit3A_43 = arith.constant -1.000000e+30 : f32
    %broadcast_in_dim3A_44 = vector.broadcast %jit3A_43 : f32 to vector<1024x2048xf32>
    %select_n3A_45 = arith.select %or3A, %select_n3A, %broadcast_in_dim3A_44 : vector<1024x2048xi1>, vector<1024x2048xf32>
    %reduce_max3A_46 = arith.constant dense<0xFF800000> : vector<1024xf32>
    %reduce_max3A_47 = vector.multi_reduction <maximumf>, %select_n3A_45, %reduce_max3A_46 [1] : vector<1024x2048xf32> to vector<1024xf32>
    %broadcast_in_dim3A_48 = vector.shape_cast %reduce_max3A_47 : vector<1024xf32> to vector<1024x1xf32>
    %eq3A_49 = vector.broadcast %broadcast_in_dim3A_48 : vector<1024x1xf32> to vector<1024x2048xf32>
    %eq3A_50 = arith.cmpf oeq, %select_n3A, %eq3A_49 : vector<1024x2048xf32>
    %and3A_51 = arith.andi %eq3A_50, %or3A : vector<1024x2048xi1>
    %jit3A_52 = arith.constant 3.000000e+38 : f32
    %broadcast_in_dim3A_53 = vector.broadcast %jit3A_52 : f32 to vector<1024x2048xf32>
    %select_n3A_54 = arith.select %and3A_51, %convert_element_type3A, %broadcast_in_dim3A_53 : vector<1024x2048xi1>, vector<1024x2048xf32>
    %reduce_min3A_55 = arith.constant dense<0x7F800000> : vector<1024xf32>
    %reduce_min3A_56 = vector.multi_reduction <minimumf>, %select_n3A_54, %reduce_min3A_55 [1] : vector<1024x2048xf32> to vector<1024xf32>
    %broadcast_in_dim3A_57 = vector.shape_cast %reduce_max3A_47 : vector<1024xf32> to vector<1024x1xf32>
    %lt3A_58 = vector.broadcast %broadcast_in_dim3A_57 : vector<1024x1xf32> to vector<1024x2048xf32>
    %lt3A_59 = arith.cmpf olt, %select_n3A, %lt3A_58 : vector<1024x2048xf32>
    %broadcast_in_dim3A_60 = vector.shape_cast %reduce_max3A_47 : vector<1024xf32> to vector<1024x1xf32>
    %eq3A_61 = vector.broadcast %broadcast_in_dim3A_60 : vector<1024x1xf32> to vector<1024x2048xf32>
    %eq3A_62 = arith.cmpf oeq, %select_n3A, %eq3A_61 : vector<1024x2048xf32>
    %broadcast_in_dim3A_63 = vector.shape_cast %reduce_min3A_56 : vector<1024xf32> to vector<1024x1xf32>
    %gt3A_64 = vector.broadcast %broadcast_in_dim3A_63 : vector<1024x1xf32> to vector<1024x2048xf32>
    %gt3A_65 = arith.cmpf ogt, %convert_element_type3A, %gt3A_64 : vector<1024x2048xf32>
    %and3A_66 = arith.andi %eq3A_62, %gt3A_65 : vector<1024x2048xi1>
    %or3A_67 = arith.ori %lt3A_59, %and3A_66 : vector<1024x2048xi1>
    %jit3A_68 = arith.constant -1.000000e+30 : f32
    %broadcast_in_dim3A_69 = vector.broadcast %jit3A_68 : f32 to vector<1024x2048xf32>
    %select_n3A_70 = arith.select %or3A_67, %select_n3A, %broadcast_in_dim3A_69 : vector<1024x2048xi1>, vector<1024x2048xf32>
    %reduce_max3A_71 = arith.constant dense<0xFF800000> : vector<1024xf32>
    %reduce_max3A_72 = vector.multi_reduction <maximumf>, %select_n3A_70, %reduce_max3A_71 [1] : vector<1024x2048xf32> to vector<1024xf32>
    %broadcast_in_dim3A_73 = vector.shape_cast %reduce_max3A_72 : vector<1024xf32> to vector<1024x1xf32>
    %eq3A_74 = vector.broadcast %broadcast_in_dim3A_73 : vector<1024x1xf32> to vector<1024x2048xf32>
    %eq3A_75 = arith.cmpf oeq, %select_n3A, %eq3A_74 : vector<1024x2048xf32>
    %and3A_76 = arith.andi %eq3A_75, %or3A_67 : vector<1024x2048xi1>
    %jit3A_77 = arith.constant 3.000000e+38 : f32
    %broadcast_in_dim3A_78 = vector.broadcast %jit3A_77 : f32 to vector<1024x2048xf32>
    %select_n3A_79 = arith.select %and3A_76, %convert_element_type3A, %broadcast_in_dim3A_78 : vector<1024x2048xi1>, vector<1024x2048xf32>
    %reduce_min3A_80 = arith.constant dense<0x7F800000> : vector<1024xf32>
    %reduce_min3A_81 = vector.multi_reduction <minimumf>, %select_n3A_79, %reduce_min3A_80 [1] : vector<1024x2048xf32> to vector<1024xf32>
    %broadcast_in_dim3A_82 = vector.shape_cast %reduce_max3A_72 : vector<1024xf32> to vector<1024x1xf32>
    %lt3A_83 = vector.broadcast %broadcast_in_dim3A_82 : vector<1024x1xf32> to vector<1024x2048xf32>
    %lt3A_84 = arith.cmpf olt, %select_n3A, %lt3A_83 : vector<1024x2048xf32>
    %broadcast_in_dim3A_85 = vector.shape_cast %reduce_max3A_72 : vector<1024xf32> to vector<1024x1xf32>
    %eq3A_86 = vector.broadcast %broadcast_in_dim3A_85 : vector<1024x1xf32> to vector<1024x2048xf32>
    %eq3A_87 = arith.cmpf oeq, %select_n3A, %eq3A_86 : vector<1024x2048xf32>
    %broadcast_in_dim3A_88 = vector.shape_cast %reduce_min3A_81 : vector<1024xf32> to vector<1024x1xf32>
    %gt3A_89 = vector.broadcast %broadcast_in_dim3A_88 : vector<1024x1xf32> to vector<1024x2048xf32>
    %gt3A_90 = arith.cmpf ogt, %convert_element_type3A, %gt3A_89 : vector<1024x2048xf32>
    %and3A_91 = arith.andi %eq3A_87, %gt3A_90 : vector<1024x2048xi1>
    %or3A_92 = arith.ori %lt3A_84, %and3A_91 : vector<1024x2048xi1>
    %jit3A_93 = arith.constant -1.000000e+30 : f32
    %broadcast_in_dim3A_94 = vector.broadcast %jit3A_93 : f32 to vector<1024x2048xf32>
    %select_n3A_95 = arith.select %or3A_92, %select_n3A, %broadcast_in_dim3A_94 : vector<1024x2048xi1>, vector<1024x2048xf32>
    %reduce_max3A_96 = arith.constant dense<0xFF800000> : vector<1024xf32>
    %reduce_max3A_97 = vector.multi_reduction <maximumf>, %select_n3A_95, %reduce_max3A_96 [1] : vector<1024x2048xf32> to vector<1024xf32>
    %broadcast_in_dim3A_98 = vector.shape_cast %reduce_max3A_97 : vector<1024xf32> to vector<1024x1xf32>
    %eq3A_99 = vector.broadcast %broadcast_in_dim3A_98 : vector<1024x1xf32> to vector<1024x2048xf32>
    %eq3A_100 = arith.cmpf oeq, %select_n3A, %eq3A_99 : vector<1024x2048xf32>
    %and3A_101 = arith.andi %eq3A_100, %or3A_92 : vector<1024x2048xi1>
    %jit3A_102 = arith.constant 3.000000e+38 : f32
    %broadcast_in_dim3A_103 = vector.broadcast %jit3A_102 : f32 to vector<1024x2048xf32>
    %select_n3A_104 = arith.select %and3A_101, %convert_element_type3A, %broadcast_in_dim3A_103 : vector<1024x2048xi1>, vector<1024x2048xf32>
    %reduce_min3A_105 = arith.constant dense<0x7F800000> : vector<1024xf32>
    %reduce_min3A_106 = vector.multi_reduction <minimumf>, %select_n3A_104, %reduce_min3A_105 [1] : vector<1024x2048xf32> to vector<1024xf32>
    %broadcast_in_dim3A_107 = vector.shape_cast %reduce_max3A_97 : vector<1024xf32> to vector<1024x1xf32>
    %lt3A_108 = vector.broadcast %broadcast_in_dim3A_107 : vector<1024x1xf32> to vector<1024x2048xf32>
    %lt3A_109 = arith.cmpf olt, %select_n3A, %lt3A_108 : vector<1024x2048xf32>
    %broadcast_in_dim3A_110 = vector.shape_cast %reduce_max3A_97 : vector<1024xf32> to vector<1024x1xf32>
    %eq3A_111 = vector.broadcast %broadcast_in_dim3A_110 : vector<1024x1xf32> to vector<1024x2048xf32>
    %eq3A_112 = arith.cmpf oeq, %select_n3A, %eq3A_111 : vector<1024x2048xf32>
    %broadcast_in_dim3A_113 = vector.shape_cast %reduce_min3A_106 : vector<1024xf32> to vector<1024x1xf32>
    %gt3A_114 = vector.broadcast %broadcast_in_dim3A_113 : vector<1024x1xf32> to vector<1024x2048xf32>
    %gt3A_115 = arith.cmpf ogt, %convert_element_type3A, %gt3A_114 : vector<1024x2048xf32>
    %and3A_116 = arith.andi %eq3A_112, %gt3A_115 : vector<1024x2048xi1>
    %or3A_117 = arith.ori %lt3A_109, %and3A_116 : vector<1024x2048xi1>
    %jit3A_118 = arith.constant -1.000000e+30 : f32
    %broadcast_in_dim3A_119 = vector.broadcast %jit3A_118 : f32 to vector<1024x2048xf32>
    %select_n3A_120 = arith.select %or3A_117, %select_n3A, %broadcast_in_dim3A_119 : vector<1024x2048xi1>, vector<1024x2048xf32>
    %reduce_max3A_121 = arith.constant dense<0xFF800000> : vector<1024xf32>
    %reduce_max3A_122 = vector.multi_reduction <maximumf>, %select_n3A_120, %reduce_max3A_121 [1] : vector<1024x2048xf32> to vector<1024xf32>
    %broadcast_in_dim3A_123 = vector.shape_cast %reduce_max3A_122 : vector<1024xf32> to vector<1024x1xf32>
    %eq3A_124 = vector.broadcast %broadcast_in_dim3A_123 : vector<1024x1xf32> to vector<1024x2048xf32>
    %eq3A_125 = arith.cmpf oeq, %select_n3A, %eq3A_124 : vector<1024x2048xf32>
    %and3A_126 = arith.andi %eq3A_125, %or3A_117 : vector<1024x2048xi1>
    %jit3A_127 = arith.constant 3.000000e+38 : f32
    %broadcast_in_dim3A_128 = vector.broadcast %jit3A_127 : f32 to vector<1024x2048xf32>
    %select_n3A_129 = arith.select %and3A_126, %convert_element_type3A, %broadcast_in_dim3A_128 : vector<1024x2048xi1>, vector<1024x2048xf32>
    %reduce_min3A_130 = arith.constant dense<0x7F800000> : vector<1024xf32>
    %reduce_min3A_131 = vector.multi_reduction <minimumf>, %select_n3A_129, %reduce_min3A_130 [1] : vector<1024x2048xf32> to vector<1024xf32>
    %broadcast_in_dim3A_132 = arith.constant -1.000000e+30 : f32
    %broadcast_in_dim3A_133 = vector.broadcast %broadcast_in_dim3A_132 : f32 to vector<1024xf32>
    %mul3A_134 = arith.constant 2048 : i32
    %mul3A_135 = arith.muli %arg0, %mul3A_134 : i32
    %convert_element_type3A_136 = arith.sitofp %mul3A_135 : i32 to f32
    %stack3A = vector.shape_cast %reduce_max3A_28 : vector<1024xf32> to vector<1024x1xf32>
    %stack3A_137 = vector.shape_cast %reduce_max3A_47 : vector<1024xf32> to vector<1024x1xf32>
    %stack3A_138 = vector.shape_cast %reduce_max3A_72 : vector<1024xf32> to vector<1024x1xf32>
    %stack3A_139 = vector.shape_cast %reduce_max3A_97 : vector<1024xf32> to vector<1024x1xf32>
    %stack3A_140 = vector.shape_cast %reduce_max3A_122 : vector<1024xf32> to vector<1024x1xf32>
    %stack3A_141 = vector.shape_cast %broadcast_in_dim3A_133 : vector<1024xf32> to vector<1024x1xf32>
    %stack3A_142 = vector.shape_cast %broadcast_in_dim3A_133 : vector<1024xf32> to vector<1024x1xf32>
    %stack3A_143 = vector.shape_cast %broadcast_in_dim3A_133 : vector<1024xf32> to vector<1024x1xf32>
    %stack3A_144 = tpu.concatenate %stack3A, %stack3A_137, %stack3A_138, %stack3A_139, %stack3A_140, %stack3A_141, %stack3A_142, %stack3A_143 in 1 : vector<1024x1xf32>, vector<1024x1xf32>, vector<1024x1xf32>, vector<1024x1xf32>, vector<1024x1xf32>, vector<1024x1xf32>, vector<1024x1xf32>, vector<1024x1xf32> -> vector<1024x8xf32>
    %swap3A = arith.constant 0 : index
    %swap3A_145 = arith.constant 0 : index
    %swap3A_146 = arith.constant 0 : index
    %swap3A_147 = vector.load %arg3[%swap3A, %swap3A_145, %swap3A_146] : memref<1x1024x8xf32, #tpu.memory_space<vmem>>, vector<1x1024x8xf32>
    %swap3A_148 = vector.shape_cast %swap3A_147 : vector<1x1024x8xf32> to vector<1024x8xf32>
    %swap3A_149 = vector.shape_cast %stack3A_144 : vector<1024x8xf32> to vector<1x1024x8xf32>
    tpu.vector_store %arg3[%swap3A, %swap3A_145, %swap3A_146], %swap3A_149 {strides = array<i32>} : memref<1x1024x8xf32, #tpu.memory_space<vmem>>, vector<1x1024x8xf32>,
    %broadcast_in_dim3A_150 = arith.constant 0.000000e+00 : f32
    %broadcast_in_dim3A_151 = vector.broadcast %broadcast_in_dim3A_150 : f32 to vector<1024xf32>
    %add3A = vector.broadcast %convert_element_type3A_136 : f32 to vector<1024xf32>
    %add3A_152 = arith.addf %reduce_min3A_34, %add3A : vector<1024xf32>
    %add3A_153 = vector.broadcast %convert_element_type3A_136 : f32 to vector<1024xf32>
    %add3A_154 = arith.addf %reduce_min3A_56, %add3A_153 : vector<1024xf32>
    %add3A_155 = vector.broadcast %convert_element_type3A_136 : f32 to vector<1024xf32>
    %add3A_156 = arith.addf %reduce_min3A_81, %add3A_155 : vector<1024xf32>
    %add3A_157 = vector.broadcast %convert_element_type3A_136 : f32 to vector<1024xf32>
    %add3A_158 = arith.addf %reduce_min3A_106, %add3A_157 : vector<1024xf32>
    %add3A_159 = vector.broadcast %convert_element_type3A_136 : f32 to vector<1024xf32>
    %add3A_160 = arith.addf %reduce_min3A_131, %add3A_159 : vector<1024xf32>
    %stack3A_161 = vector.shape_cast %add3A_152 : vector<1024xf32> to vector<1024x1xf32>
    %stack3A_162 = vector.shape_cast %add3A_154 : vector<1024xf32> to vector<1024x1xf32>
    %stack3A_163 = vector.shape_cast %add3A_156 : vector<1024xf32> to vector<1024x1xf32>
    %stack3A_164 = vector.shape_cast %add3A_158 : vector<1024xf32> to vector<1024x1xf32>
    %stack3A_165 = vector.shape_cast %add3A_160 : vector<1024xf32> to vector<1024x1xf32>
    %stack3A_166 = vector.shape_cast %broadcast_in_dim3A_151 : vector<1024xf32> to vector<1024x1xf32>
    %stack3A_167 = vector.shape_cast %broadcast_in_dim3A_151 : vector<1024xf32> to vector<1024x1xf32>
    %stack3A_168 = vector.shape_cast %broadcast_in_dim3A_151 : vector<1024xf32> to vector<1024x1xf32>
    %stack3A_169 = tpu.concatenate %stack3A_161, %stack3A_162, %stack3A_163, %stack3A_164, %stack3A_165, %stack3A_166, %stack3A_167, %stack3A_168 in 1 : vector<1024x1xf32>, vector<1024x1xf32>, vector<1024x1xf32>, vector<1024x1xf32>, vector<1024x1xf32>, vector<1024x1xf32>, vector<1024x1xf32>, vector<1024x1xf32> -> vector<1024x8xf32>
    %convert_element_type3A_170 = arith.fptosi %stack3A_169 : vector<1024x8xf32> to vector<1024x8xi32>
    %swap3A_171 = arith.constant 0 : index
    %swap3A_172 = arith.constant 0 : index
    %swap3A_173 = arith.constant 0 : index
    %swap3A_174 = vector.load %arg4[%swap3A_171, %swap3A_172, %swap3A_173] : memref<1x1024x8xi32, #tpu.memory_space<vmem>>, vector<1x1024x8xi32>
    %swap3A_175 = vector.shape_cast %swap3A_174 : vector<1x1024x8xi32> to vector<1024x8xi32>
    %swap3A_176 = vector.shape_cast %convert_element_type3A_170 : vector<1024x8xi32> to vector<1x1024x8xi32>
    tpu.vector_store %arg4[%swap3A_171, %swap3A_172, %swap3A_173], %swap3A_176 {strides = array<i32>} : memref<1x1024x8xi32, #tpu.memory_space<vmem>>, vector<1x1024x8xi32>,
    return
  }
  func.func @transform_0(%arg0: i32) -> (i32, i32) {
    %c0_i32 = arith.constant 0 : i32
    %c0_i32_0 = arith.constant 0 : i32
    %c0_i32_1 = arith.constant 0 : i32
    return %c0_i32, %c0_i32_0 : i32, i32
  }
  func.func @transform_1(%arg0: i32) -> (i32, i32) {
    %c0_i32 = arith.constant 0 : i32
    %c0_i32_0 = arith.constant 0 : i32
    return %arg0, %c0_i32 : i32, i32
  }
  func.func @transform_2(%arg0: i32) -> (i32, i32, i32) {
    %c0_i32 = arith.constant 0 : i32
    %c0_i32_0 = arith.constant 0 : i32
    %c0_i32_1 = arith.constant 0 : i32
    return %arg0, %c0_i32, %c0_i32_0 : i32, i32, i32
  }
  func.func @transform_3(%arg0: i32) -> (i32, i32, i32) {
    %c0_i32 = arith.constant 0 : i32
    %c0_i32_0 = arith.constant 0 : i32
    %c0_i32_1 = arith.constant 0 : i32
    return %arg0, %c0_i32, %c0_i32_0 : i32, i32, i32
  }
}

module attributes {stable_mosaic.version = 14 : i64} {
  func.func @_topk_merge_body(%arg0: memref<1024x392xf32, #tpu.memory_space<vmem>>, %arg1: memref<1024x392xi32, #tpu.memory_space<vmem>>, %arg2: memref<1024x8xf32, #tpu.memory_space<vmem>>, %arg3: memref<1024x8xi32, #tpu.memory_space<vmem>>) attributes {dimension_semantics = [], scalar_prefetch = 0 : i64, scratch_operands = 0 : i64, tpu.core_type = #tpu.core_type<tc>} {
    %get3A = arith.constant 0 : index
    %get3A_0 = arith.constant 0 : index
    %get3A_1 = vector.load %arg0[%get3A, %get3A_0] : memref<1024x392xf32, #tpu.memory_space<vmem>>, vector<1024x392xf32>
    %get3A_2 = arith.constant 0 : index
    %get3A_3 = arith.constant 0 : index
    %get3A_4 = vector.load %arg1[%get3A_2, %get3A_3] : memref<1024x392xi32, #tpu.memory_space<vmem>>, vector<1024x392xi32>
    %iota3A = tpu.iota {dimensions = array<i32: 1>} : vector<1024x392xi32>
    %convert_element_type3A = arith.sitofp %iota3A : vector<1024x392xi32> to vector<1024x392xf32>
    %reduce_max3A = arith.constant dense<0xFF800000> : vector<1024xf32>
    %reduce_max3A_5 = vector.multi_reduction <maximumf>, %get3A_1, %reduce_max3A [1] : vector<1024x392xf32> to vector<1024xf32>
    %broadcast_in_dim3A = vector.shape_cast %reduce_max3A_5 : vector<1024xf32> to vector<1024x1xf32>
    %eq3A = vector.broadcast %broadcast_in_dim3A : vector<1024x1xf32> to vector<1024x392xf32>
    %eq3A_6 = arith.cmpf oeq, %get3A_1, %eq3A : vector<1024x392xf32>
    %jit3A = arith.constant 3.000000e+38 : f32
    %broadcast_in_dim3A_7 = vector.broadcast %jit3A : f32 to vector<1024x392xf32>
    %select_n3A = arith.select %eq3A_6, %convert_element_type3A, %broadcast_in_dim3A_7 : vector<1024x392xi1>, vector<1024x392xf32>
    %reduce_min3A = arith.constant dense<0x7F800000> : vector<1024xf32>
    %reduce_min3A_8 = vector.multi_reduction <minimumf>, %select_n3A, %reduce_min3A [1] : vector<1024x392xf32> to vector<1024xf32>
    %broadcast_in_dim3A_9 = vector.shape_cast %reduce_max3A_5 : vector<1024xf32> to vector<1024x1xf32>
    %lt3A = vector.broadcast %broadcast_in_dim3A_9 : vector<1024x1xf32> to vector<1024x392xf32>
    %lt3A_10 = arith.cmpf olt, %get3A_1, %lt3A : vector<1024x392xf32>
    %broadcast_in_dim3A_11 = vector.shape_cast %reduce_max3A_5 : vector<1024xf32> to vector<1024x1xf32>
    %eq3A_12 = vector.broadcast %broadcast_in_dim3A_11 : vector<1024x1xf32> to vector<1024x392xf32>
    %eq3A_13 = arith.cmpf oeq, %get3A_1, %eq3A_12 : vector<1024x392xf32>
    %broadcast_in_dim3A_14 = vector.shape_cast %reduce_min3A_8 : vector<1024xf32> to vector<1024x1xf32>
    %gt3A = vector.broadcast %broadcast_in_dim3A_14 : vector<1024x1xf32> to vector<1024x392xf32>
    %gt3A_15 = arith.cmpf ogt, %convert_element_type3A, %gt3A : vector<1024x392xf32>
    %and3A = arith.andi %eq3A_13, %gt3A_15 : vector<1024x392xi1>
    %or3A = arith.ori %lt3A_10, %and3A : vector<1024x392xi1>
    %jit3A_16 = arith.constant -1.000000e+30 : f32
    %broadcast_in_dim3A_17 = vector.broadcast %jit3A_16 : f32 to vector<1024x392xf32>
    %select_n3A_18 = arith.select %or3A, %get3A_1, %broadcast_in_dim3A_17 : vector<1024x392xi1>, vector<1024x392xf32>
    %reduce_max3A_19 = arith.constant dense<0xFF800000> : vector<1024xf32>
    %reduce_max3A_20 = vector.multi_reduction <maximumf>, %select_n3A_18, %reduce_max3A_19 [1] : vector<1024x392xf32> to vector<1024xf32>
    %broadcast_in_dim3A_21 = vector.shape_cast %reduce_max3A_20 : vector<1024xf32> to vector<1024x1xf32>
    %eq3A_22 = vector.broadcast %broadcast_in_dim3A_21 : vector<1024x1xf32> to vector<1024x392xf32>
    %eq3A_23 = arith.cmpf oeq, %get3A_1, %eq3A_22 : vector<1024x392xf32>
    %and3A_24 = arith.andi %eq3A_23, %or3A : vector<1024x392xi1>
    %jit3A_25 = arith.constant 3.000000e+38 : f32
    %broadcast_in_dim3A_26 = vector.broadcast %jit3A_25 : f32 to vector<1024x392xf32>
    %select_n3A_27 = arith.select %and3A_24, %convert_element_type3A, %broadcast_in_dim3A_26 : vector<1024x392xi1>, vector<1024x392xf32>
    %reduce_min3A_28 = arith.constant dense<0x7F800000> : vector<1024xf32>
    %reduce_min3A_29 = vector.multi_reduction <minimumf>, %select_n3A_27, %reduce_min3A_28 [1] : vector<1024x392xf32> to vector<1024xf32>
    %broadcast_in_dim3A_30 = vector.shape_cast %reduce_max3A_20 : vector<1024xf32> to vector<1024x1xf32>
    %lt3A_31 = vector.broadcast %broadcast_in_dim3A_30 : vector<1024x1xf32> to vector<1024x392xf32>
    %lt3A_32 = arith.cmpf olt, %get3A_1, %lt3A_31 : vector<1024x392xf32>
    %broadcast_in_dim3A_33 = vector.shape_cast %reduce_max3A_20 : vector<1024xf32> to vector<1024x1xf32>
    %eq3A_34 = vector.broadcast %broadcast_in_dim3A_33 : vector<1024x1xf32> to vector<1024x392xf32>
    %eq3A_35 = arith.cmpf oeq, %get3A_1, %eq3A_34 : vector<1024x392xf32>
    %broadcast_in_dim3A_36 = vector.shape_cast %reduce_min3A_29 : vector<1024xf32> to vector<1024x1xf32>
    %gt3A_37 = vector.broadcast %broadcast_in_dim3A_36 : vector<1024x1xf32> to vector<1024x392xf32>
    %gt3A_38 = arith.cmpf ogt, %convert_element_type3A, %gt3A_37 : vector<1024x392xf32>
    %and3A_39 = arith.andi %eq3A_35, %gt3A_38 : vector<1024x392xi1>
    %or3A_40 = arith.ori %lt3A_32, %and3A_39 : vector<1024x392xi1>
    %jit3A_41 = arith.constant -1.000000e+30 : f32
    %broadcast_in_dim3A_42 = vector.broadcast %jit3A_41 : f32 to vector<1024x392xf32>
    %select_n3A_43 = arith.select %or3A_40, %get3A_1, %broadcast_in_dim3A_42 : vector<1024x392xi1>, vector<1024x392xf32>
    %reduce_max3A_44 = arith.constant dense<0xFF800000> : vector<1024xf32>
    %reduce_max3A_45 = vector.multi_reduction <maximumf>, %select_n3A_43, %reduce_max3A_44 [1] : vector<1024x392xf32> to vector<1024xf32>
    %broadcast_in_dim3A_46 = vector.shape_cast %reduce_max3A_45 : vector<1024xf32> to vector<1024x1xf32>
    %eq3A_47 = vector.broadcast %broadcast_in_dim3A_46 : vector<1024x1xf32> to vector<1024x392xf32>
    %eq3A_48 = arith.cmpf oeq, %get3A_1, %eq3A_47 : vector<1024x392xf32>
    %and3A_49 = arith.andi %eq3A_48, %or3A_40 : vector<1024x392xi1>
    %jit3A_50 = arith.constant 3.000000e+38 : f32
    %broadcast_in_dim3A_51 = vector.broadcast %jit3A_50 : f32 to vector<1024x392xf32>
    %select_n3A_52 = arith.select %and3A_49, %convert_element_type3A, %broadcast_in_dim3A_51 : vector<1024x392xi1>, vector<1024x392xf32>
    %reduce_min3A_53 = arith.constant dense<0x7F800000> : vector<1024xf32>
    %reduce_min3A_54 = vector.multi_reduction <minimumf>, %select_n3A_52, %reduce_min3A_53 [1] : vector<1024x392xf32> to vector<1024xf32>
    %broadcast_in_dim3A_55 = vector.shape_cast %reduce_max3A_45 : vector<1024xf32> to vector<1024x1xf32>
    %lt3A_56 = vector.broadcast %broadcast_in_dim3A_55 : vector<1024x1xf32> to vector<1024x392xf32>
    %lt3A_57 = arith.cmpf olt, %get3A_1, %lt3A_56 : vector<1024x392xf32>
    %broadcast_in_dim3A_58 = vector.shape_cast %reduce_max3A_45 : vector<1024xf32> to vector<1024x1xf32>
    %eq3A_59 = vector.broadcast %broadcast_in_dim3A_58 : vector<1024x1xf32> to vector<1024x392xf32>
    %eq3A_60 = arith.cmpf oeq, %get3A_1, %eq3A_59 : vector<1024x392xf32>
    %broadcast_in_dim3A_61 = vector.shape_cast %reduce_min3A_54 : vector<1024xf32> to vector<1024x1xf32>
    %gt3A_62 = vector.broadcast %broadcast_in_dim3A_61 : vector<1024x1xf32> to vector<1024x392xf32>
    %gt3A_63 = arith.cmpf ogt, %convert_element_type3A, %gt3A_62 : vector<1024x392xf32>
    %and3A_64 = arith.andi %eq3A_60, %gt3A_63 : vector<1024x392xi1>
    %or3A_65 = arith.ori %lt3A_57, %and3A_64 : vector<1024x392xi1>
    %jit3A_66 = arith.constant -1.000000e+30 : f32
    %broadcast_in_dim3A_67 = vector.broadcast %jit3A_66 : f32 to vector<1024x392xf32>
    %select_n3A_68 = arith.select %or3A_65, %get3A_1, %broadcast_in_dim3A_67 : vector<1024x392xi1>, vector<1024x392xf32>
    %reduce_max3A_69 = arith.constant dense<0xFF800000> : vector<1024xf32>
    %reduce_max3A_70 = vector.multi_reduction <maximumf>, %select_n3A_68, %reduce_max3A_69 [1] : vector<1024x392xf32> to vector<1024xf32>
    %broadcast_in_dim3A_71 = vector.shape_cast %reduce_max3A_70 : vector<1024xf32> to vector<1024x1xf32>
    %eq3A_72 = vector.broadcast %broadcast_in_dim3A_71 : vector<1024x1xf32> to vector<1024x392xf32>
    %eq3A_73 = arith.cmpf oeq, %get3A_1, %eq3A_72 : vector<1024x392xf32>
    %and3A_74 = arith.andi %eq3A_73, %or3A_65 : vector<1024x392xi1>
    %jit3A_75 = arith.constant 3.000000e+38 : f32
    %broadcast_in_dim3A_76 = vector.broadcast %jit3A_75 : f32 to vector<1024x392xf32>
    %select_n3A_77 = arith.select %and3A_74, %convert_element_type3A, %broadcast_in_dim3A_76 : vector<1024x392xi1>, vector<1024x392xf32>
    %reduce_min3A_78 = arith.constant dense<0x7F800000> : vector<1024xf32>
    %reduce_min3A_79 = vector.multi_reduction <minimumf>, %select_n3A_77, %reduce_min3A_78 [1] : vector<1024x392xf32> to vector<1024xf32>
    %broadcast_in_dim3A_80 = vector.shape_cast %reduce_max3A_70 : vector<1024xf32> to vector<1024x1xf32>
    %lt3A_81 = vector.broadcast %broadcast_in_dim3A_80 : vector<1024x1xf32> to vector<1024x392xf32>
    %lt3A_82 = arith.cmpf olt, %get3A_1, %lt3A_81 : vector<1024x392xf32>
    %broadcast_in_dim3A_83 = vector.shape_cast %reduce_max3A_70 : vector<1024xf32> to vector<1024x1xf32>
    %eq3A_84 = vector.broadcast %broadcast_in_dim3A_83 : vector<1024x1xf32> to vector<1024x392xf32>
    %eq3A_85 = arith.cmpf oeq, %get3A_1, %eq3A_84 : vector<1024x392xf32>
    %broadcast_in_dim3A_86 = vector.shape_cast %reduce_min3A_79 : vector<1024xf32> to vector<1024x1xf32>
    %gt3A_87 = vector.broadcast %broadcast_in_dim3A_86 : vector<1024x1xf32> to vector<1024x392xf32>
    %gt3A_88 = arith.cmpf ogt, %convert_element_type3A, %gt3A_87 : vector<1024x392xf32>
    %and3A_89 = arith.andi %eq3A_85, %gt3A_88 : vector<1024x392xi1>
    %or3A_90 = arith.ori %lt3A_82, %and3A_89 : vector<1024x392xi1>
    %jit3A_91 = arith.constant -1.000000e+30 : f32
    %broadcast_in_dim3A_92 = vector.broadcast %jit3A_91 : f32 to vector<1024x392xf32>
    %select_n3A_93 = arith.select %or3A_90, %get3A_1, %broadcast_in_dim3A_92 : vector<1024x392xi1>, vector<1024x392xf32>
    %reduce_max3A_94 = arith.constant dense<0xFF800000> : vector<1024xf32>
    %reduce_max3A_95 = vector.multi_reduction <maximumf>, %select_n3A_93, %reduce_max3A_94 [1] : vector<1024x392xf32> to vector<1024xf32>
    %broadcast_in_dim3A_96 = vector.shape_cast %reduce_max3A_95 : vector<1024xf32> to vector<1024x1xf32>
    %eq3A_97 = vector.broadcast %broadcast_in_dim3A_96 : vector<1024x1xf32> to vector<1024x392xf32>
    %eq3A_98 = arith.cmpf oeq, %get3A_1, %eq3A_97 : vector<1024x392xf32>
    %and3A_99 = arith.andi %eq3A_98, %or3A_90 : vector<1024x392xi1>
    %jit3A_100 = arith.constant 3.000000e+38 : f32
    %broadcast_in_dim3A_101 = vector.broadcast %jit3A_100 : f32 to vector<1024x392xf32>
    %select_n3A_102 = arith.select %and3A_99, %convert_element_type3A, %broadcast_in_dim3A_101 : vector<1024x392xi1>, vector<1024x392xf32>
    %reduce_min3A_103 = arith.constant dense<0x7F800000> : vector<1024xf32>
    %reduce_min3A_104 = vector.multi_reduction <minimumf>, %select_n3A_102, %reduce_min3A_103 [1] : vector<1024x392xf32> to vector<1024xf32>
    %broadcast_in_dim3A_105 = vector.shape_cast %reduce_min3A_8 : vector<1024xf32> to vector<1024x1xf32>
    %eq3A_106 = vector.broadcast %broadcast_in_dim3A_105 : vector<1024x1xf32> to vector<1024x392xf32>
    %eq3A_107 = arith.cmpf oeq, %convert_element_type3A, %eq3A_106 : vector<1024x392xf32>
    %jit3A_108 = arith.constant 0 : i32
    %broadcast_in_dim3A_109 = vector.broadcast %jit3A_108 : i32 to vector<1024x392xi32>
    %select_n3A_110 = arith.select %eq3A_107, %get3A_4, %broadcast_in_dim3A_109 : vector<1024x392xi1>, vector<1024x392xi32>
    %reduce_sum3A = arith.constant dense<0> : vector<1024xi32>
    %reduce_sum3A_111 = vector.multi_reduction <add>, %select_n3A_110, %reduce_sum3A [1] : vector<1024x392xi32> to vector<1024xi32>
    %broadcast_in_dim3A_112 = vector.shape_cast %reduce_min3A_29 : vector<1024xf32> to vector<1024x1xf32>
    %eq3A_113 = vector.broadcast %broadcast_in_dim3A_112 : vector<1024x1xf32> to vector<1024x392xf32>
    %eq3A_114 = arith.cmpf oeq, %convert_element_type3A, %eq3A_113 : vector<1024x392xf32>
    %jit3A_115 = arith.constant 0 : i32
    %broadcast_in_dim3A_116 = vector.broadcast %jit3A_115 : i32 to vector<1024x392xi32>
    %select_n3A_117 = arith.select %eq3A_114, %get3A_4, %broadcast_in_dim3A_116 : vector<1024x392xi1>, vector<1024x392xi32>
    %reduce_sum3A_118 = arith.constant dense<0> : vector<1024xi32>
    %reduce_sum3A_119 = vector.multi_reduction <add>, %select_n3A_117, %reduce_sum3A_118 [1] : vector<1024x392xi32> to vector<1024xi32>
    %broadcast_in_dim3A_120 = vector.shape_cast %reduce_min3A_54 : vector<1024xf32> to vector<1024x1xf32>
    %eq3A_121 = vector.broadcast %broadcast_in_dim3A_120 : vector<1024x1xf32> to vector<1024x392xf32>
    %eq3A_122 = arith.cmpf oeq, %convert_element_type3A, %eq3A_121 : vector<1024x392xf32>
    %jit3A_123 = arith.constant 0 : i32
    %broadcast_in_dim3A_124 = vector.broadcast %jit3A_123 : i32 to vector<1024x392xi32>
    %select_n3A_125 = arith.select %eq3A_122, %get3A_4, %broadcast_in_dim3A_124 : vector<1024x392xi1>, vector<1024x392xi32>
    %reduce_sum3A_126 = arith.constant dense<0> : vector<1024xi32>
    %reduce_sum3A_127 = vector.multi_reduction <add>, %select_n3A_125, %reduce_sum3A_126 [1] : vector<1024x392xi32> to vector<1024xi32>
    %broadcast_in_dim3A_128 = vector.shape_cast %reduce_min3A_79 : vector<1024xf32> to vector<1024x1xf32>
    %eq3A_129 = vector.broadcast %broadcast_in_dim3A_128 : vector<1024x1xf32> to vector<1024x392xf32>
    %eq3A_130 = arith.cmpf oeq, %convert_element_type3A, %eq3A_129 : vector<1024x392xf32>
    %jit3A_131 = arith.constant 0 : i32
    %broadcast_in_dim3A_132 = vector.broadcast %jit3A_131 : i32 to vector<1024x392xi32>
    %select_n3A_133 = arith.select %eq3A_130, %get3A_4, %broadcast_in_dim3A_132 : vector<1024x392xi1>, vector<1024x392xi32>
    %reduce_sum3A_134 = arith.constant dense<0> : vector<1024xi32>
    %reduce_sum3A_135 = vector.multi_reduction <add>, %select_n3A_133, %reduce_sum3A_134 [1] : vector<1024x392xi32> to vector<1024xi32>
    %broadcast_in_dim3A_136 = vector.shape_cast %reduce_min3A_104 : vector<1024xf32> to vector<1024x1xf32>
    %eq3A_137 = vector.broadcast %broadcast_in_dim3A_136 : vector<1024x1xf32> to vector<1024x392xf32>
    %eq3A_138 = arith.cmpf oeq, %convert_element_type3A, %eq3A_137 : vector<1024x392xf32>
    %jit3A_139 = arith.constant 0 : i32
    %broadcast_in_dim3A_140 = vector.broadcast %jit3A_139 : i32 to vector<1024x392xi32>
    %select_n3A_141 = arith.select %eq3A_138, %get3A_4, %broadcast_in_dim3A_140 : vector<1024x392xi1>, vector<1024x392xi32>
    %reduce_sum3A_142 = arith.constant dense<0> : vector<1024xi32>
    %reduce_sum3A_143 = vector.multi_reduction <add>, %select_n3A_141, %reduce_sum3A_142 [1] : vector<1024x392xi32> to vector<1024xi32>
    %broadcast_in_dim3A_144 = arith.constant -1.000000e+30 : f32
    %broadcast_in_dim3A_145 = vector.broadcast %broadcast_in_dim3A_144 : f32 to vector<1024xf32>
    %broadcast_in_dim3A_146 = arith.constant 0 : i32
    %broadcast_in_dim3A_147 = vector.broadcast %broadcast_in_dim3A_146 : i32 to vector<1024xi32>
    %stack3A = vector.shape_cast %reduce_max3A_5 : vector<1024xf32> to vector<1024x1xf32>
    %stack3A_148 = vector.shape_cast %reduce_max3A_20 : vector<1024xf32> to vector<1024x1xf32>
    %stack3A_149 = vector.shape_cast %reduce_max3A_45 : vector<1024xf32> to vector<1024x1xf32>
    %stack3A_150 = vector.shape_cast %reduce_max3A_70 : vector<1024xf32> to vector<1024x1xf32>
    %stack3A_151 = vector.shape_cast %reduce_max3A_95 : vector<1024xf32> to vector<1024x1xf32>
    %stack3A_152 = vector.shape_cast %broadcast_in_dim3A_145 : vector<1024xf32> to vector<1024x1xf32>
    %stack3A_153 = vector.shape_cast %broadcast_in_dim3A_145 : vector<1024xf32> to vector<1024x1xf32>
    %stack3A_154 = vector.shape_cast %broadcast_in_dim3A_145 : vector<1024xf32> to vector<1024x1xf32>
    %stack3A_155 = tpu.concatenate %stack3A, %stack3A_148, %stack3A_149, %stack3A_150, %stack3A_151, %stack3A_152, %stack3A_153, %stack3A_154 in 1 : vector<1024x1xf32>, vector<1024x1xf32>, vector<1024x1xf32>, vector<1024x1xf32>, vector<1024x1xf32>, vector<1024x1xf32>, vector<1024x1xf32>, vector<1024x1xf32> -> vector<1024x8xf32>
    %swap3A = arith.constant 0 : index
    %swap3A_156 = arith.constant 0 : index
    %swap3A_157 = vector.load %arg2[%swap3A, %swap3A_156] : memref<1024x8xf32, #tpu.memory_space<vmem>>, vector<1024x8xf32>
    tpu.vector_store %arg2[%swap3A, %swap3A_156], %stack3A_155 {strides = array<i32>} : memref<1024x8xf32, #tpu.memory_space<vmem>>, vector<1024x8xf32>,
    %stack3A_158 = vector.shape_cast %reduce_sum3A_111 : vector<1024xi32> to vector<1024x1xi32>
    %stack3A_159 = vector.shape_cast %reduce_sum3A_119 : vector<1024xi32> to vector<1024x1xi32>
    %stack3A_160 = vector.shape_cast %reduce_sum3A_127 : vector<1024xi32> to vector<1024x1xi32>
    %stack3A_161 = vector.shape_cast %reduce_sum3A_135 : vector<1024xi32> to vector<1024x1xi32>
    %stack3A_162 = vector.shape_cast %reduce_sum3A_143 : vector<1024xi32> to vector<1024x1xi32>
    %stack3A_163 = vector.shape_cast %broadcast_in_dim3A_147 : vector<1024xi32> to vector<1024x1xi32>
    %stack3A_164 = vector.shape_cast %broadcast_in_dim3A_147 : vector<1024xi32> to vector<1024x1xi32>
    %stack3A_165 = vector.shape_cast %broadcast_in_dim3A_147 : vector<1024xi32> to vector<1024x1xi32>
    %stack3A_166 = tpu.concatenate %stack3A_158, %stack3A_159, %stack3A_160, %stack3A_161, %stack3A_162, %stack3A_163, %stack3A_164, %stack3A_165 in 1 : vector<1024x1xi32>, vector<1024x1xi32>, vector<1024x1xi32>, vector<1024x1xi32>, vector<1024x1xi32>, vector<1024x1xi32>, vector<1024x1xi32>, vector<1024x1xi32> -> vector<1024x8xi32>
    %swap3A_167 = arith.constant 0 : index
    %swap3A_168 = arith.constant 0 : index
    %swap3A_169 = vector.load %arg3[%swap3A_167, %swap3A_168] : memref<1024x8xi32, #tpu.memory_space<vmem>>, vector<1024x8xi32>
    tpu.vector_store %arg3[%swap3A_167, %swap3A_168], %stack3A_166 {strides = array<i32>} : memref<1024x8xi32, #tpu.memory_space<vmem>>, vector<1024x8xi32>,
    return
  }
}

module attributes {stable_mosaic.version = 14 : i64} {
  func.func @_fuse_body(%arg0: memref<1024x64xf32, #tpu.memory_space<vmem>>, %arg1: memref<1024x320xf32, #tpu.memory_space<vmem>>, %arg2: memref<1x8xf32, #tpu.memory_space<vmem>>, %arg3: memref<1x8xf32, #tpu.memory_space<vmem>>, %arg4: memref<1024x64xf32, #tpu.memory_space<vmem>>) attributes {dimension_semantics = [], scalar_prefetch = 0 : i64, scratch_operands = 0 : i64, tpu.core_type = #tpu.core_type<tc>} {
    %get3A = arith.constant 0 : index
    %get3A_0 = arith.constant 0 : index
    %get3A_1 = vector.load %arg3[%get3A, %get3A_0] : memref<1x8xf32, #tpu.memory_space<vmem>>, vector<1x8xf32>
    %get3A_2 = arith.constant 0 : index
    %get3A_3 = arith.constant 0 : index
    %get3A_4 = vector.load %arg2[%get3A_2, %get3A_3] : memref<1x8xf32, #tpu.memory_space<vmem>>, vector<1x8xf32>
    %mul3A = arith.mulf %get3A_4, %get3A_1 : vector<1x8xf32>
    %reduce_sum3A = vector.shape_cast %mul3A : vector<1x8xf32> to vector<1x1x8xf32>
    %reduce_sum3A_5 = arith.constant dense<0.000000e+00> : vector<1xf32>
    %reduce_sum3A_6 = vector.multi_reduction <add>, %reduce_sum3A, %reduce_sum3A_5 [1, 2] : vector<1x1x8xf32> to vector<1xf32>
    %reduce_sum3A_7 = vector.shape_cast %reduce_sum3A_6 : vector<1xf32> to vector<1x1x1xf32>
    %reduce_sum3A_8 = vector.extract %reduce_sum3A_7[0, 0, 0] : f32 from vector<1x1x1xf32>
    %reduce_sum3A_9 = vector.shape_cast %get3A_1 : vector<1x8xf32> to vector<1x1x8xf32>
    %reduce_sum3A_10 = arith.constant dense<0.000000e+00> : vector<1xf32>
    %reduce_sum3A_11 = vector.multi_reduction <add>, %reduce_sum3A_9, %reduce_sum3A_10 [1, 2] : vector<1x1x8xf32> to vector<1xf32>
    %reduce_sum3A_12 = vector.shape_cast %reduce_sum3A_11 : vector<1xf32> to vector<1x1x1xf32>
    %reduce_sum3A_13 = vector.extract %reduce_sum3A_12[0, 0, 0] : f32 from vector<1x1x1xf32>
    %div3A = arith.divf %reduce_sum3A_8, %reduce_sum3A_13 : f32
    %exp3A = math.exp %get3A_4 : vector<1x8xf32>
    %mul3A_14 = arith.mulf %exp3A, %get3A_1 : vector<1x8xf32>
    %mul3A_15 = vector.broadcast %div3A : f32 to vector<1x8xf32>
    %mul3A_16 = arith.mulf %mul3A_15, %mul3A_14 : vector<1x8xf32>
    %reduce_sum3A_17 = vector.shape_cast %mul3A_14 : vector<1x8xf32> to vector<1x1x8xf32>
    %reduce_sum3A_18 = arith.constant dense<0.000000e+00> : vector<1xf32>
    %reduce_sum3A_19 = vector.multi_reduction <add>, %reduce_sum3A_17, %reduce_sum3A_18 [1, 2] : vector<1x1x8xf32> to vector<1xf32>
    %reduce_sum3A_20 = vector.shape_cast %reduce_sum3A_19 : vector<1xf32> to vector<1x1x1xf32>
    %reduce_sum3A_21 = vector.extract %reduce_sum3A_20[0, 0, 0] : f32 from vector<1x1x1xf32>
    %div3A_22 = vector.broadcast %reduce_sum3A_21 : f32 to vector<1x8xf32>
    %div3A_23 = arith.divf %mul3A_16, %div3A_22 : vector<1x8xf32>
    %get3A_24 = arith.constant 0 : index
    %get3A_25 = arith.constant 0 : index
    %get3A_26 = vector.load %arg0[%get3A_24, %get3A_25] : memref<1024x64xf32, #tpu.memory_space<vmem>>, vector<1024x64xf32>
    %sub3A = arith.constant 1.000000e+00 : f32
    %sub3A_27 = arith.subf %sub3A, %div3A : f32
    %mul3A_28 = vector.broadcast %sub3A_27 : f32 to vector<1024x64xf32>
    %mul3A_29 = arith.mulf %get3A_26, %mul3A_28 : vector<1024x64xf32>
    %get3A_30 = arith.constant 0 : index
    %get3A_31 = arith.constant 0 : index
    %get3A_32 = vector.load %arg1[%get3A_30, %get3A_31] : memref<1024x320xf32, #tpu.memory_space<vmem>>, vector<1024x64xf32>
    %slice3A = vector.extract_strided_slice %div3A_23 {offsets = [0, 0], sizes = [1, 1], strides = [1, 1]} : vector<1x8xf32> to vector<1x1xf32>
    %mul3A_33 = vector.broadcast %slice3A : vector<1x1xf32> to vector<1024x64xf32>
    %mul3A_34 = arith.mulf %get3A_32, %mul3A_33 : vector<1024x64xf32>
    %add3A = arith.addf %mul3A_29, %mul3A_34 : vector<1024x64xf32>
    %get3A_35 = arith.constant 0 : index
    %get3A_36 = arith.constant 64 : index
    %get3A_37 = vector.load %arg1[%get3A_35, %get3A_36] : memref<1024x320xf32, #tpu.memory_space<vmem>>, vector<1024x64xf32>
    %slice3A_38 = vector.extract_strided_slice %div3A_23 {offsets = [0, 1], sizes = [1, 1], strides = [1, 1]} : vector<1x8xf32> to vector<1x1xf32>
    %mul3A_39 = vector.broadcast %slice3A_38 : vector<1x1xf32> to vector<1024x64xf32>
    %mul3A_40 = arith.mulf %get3A_37, %mul3A_39 : vector<1024x64xf32>
    %add3A_41 = arith.addf %add3A, %mul3A_40 : vector<1024x64xf32>
    %get3A_42 = arith.constant 0 : index
    %get3A_43 = arith.constant 128 : index
    %get3A_44 = vector.load %arg1[%get3A_42, %get3A_43] : memref<1024x320xf32, #tpu.memory_space<vmem>>, vector<1024x64xf32>
    %slice3A_45 = vector.extract_strided_slice %div3A_23 {offsets = [0, 2], sizes = [1, 1], strides = [1, 1]} : vector<1x8xf32> to vector<1x1xf32>
    %mul3A_46 = vector.broadcast %slice3A_45 : vector<1x1xf32> to vector<1024x64xf32>
    %mul3A_47 = arith.mulf %get3A_44, %mul3A_46 : vector<1024x64xf32>
    %add3A_48 = arith.addf %add3A_41, %mul3A_47 : vector<1024x64xf32>
    %get3A_49 = arith.constant 0 : index
    %get3A_50 = arith.constant 192 : index
    %get3A_51 = vector.load %arg1[%get3A_49, %get3A_50] : memref<1024x320xf32, #tpu.memory_space<vmem>>, vector<1024x64xf32>
    %slice3A_52 = vector.extract_strided_slice %div3A_23 {offsets = [0, 3], sizes = [1, 1], strides = [1, 1]} : vector<1x8xf32> to vector<1x1xf32>
    %mul3A_53 = vector.broadcast %slice3A_52 : vector<1x1xf32> to vector<1024x64xf32>
    %mul3A_54 = arith.mulf %get3A_51, %mul3A_53 : vector<1024x64xf32>
    %add3A_55 = arith.addf %add3A_48, %mul3A_54 : vector<1024x64xf32>
    %get3A_56 = arith.constant 0 : index
    %get3A_57 = arith.constant 256 : index
    %get3A_58 = vector.load %arg1[%get3A_56, %get3A_57] : memref<1024x320xf32, #tpu.memory_space<vmem>>, vector<1024x64xf32>
    %slice3A_59 = vector.extract_strided_slice %div3A_23 {offsets = [0, 4], sizes = [1, 1], strides = [1, 1]} : vector<1x8xf32> to vector<1x1xf32>
    %mul3A_60 = vector.broadcast %slice3A_59 : vector<1x1xf32> to vector<1024x64xf32>
    %mul3A_61 = arith.mulf %get3A_58, %mul3A_60 : vector<1024x64xf32>
    %add3A_62 = arith.addf %add3A_55, %mul3A_61 : vector<1024x64xf32>
    %swap3A = arith.constant 0 : index
    %swap3A_63 = arith.constant 0 : index
    %swap3A_64 = vector.load %arg4[%swap3A, %swap3A_63] : memref<1024x64xf32, #tpu.memory_space<vmem>>, vector<1024x64xf32>
    tpu.vector_store %arg4[%swap3A, %swap3A_63], %add3A_62 {strides = array<i32>} : memref<1024x64xf32, #tpu.memory_space<vmem>>, vector<1024x64xf32>,
    return
  }
}

</mosaic_0001>

<sc_bundles>
// kernel: kernel.6.cloned.1.call-start
scs
__scs_entry_jumppad:
0x0: {  	(pc) =	sbr.rel $0x88, $3  }
0x1: {  	(tag) =	ssettag $0x0;
	lr =	simm.s32 $0x1  }
0x2: {  	[smem:$0x3F9C] =	sst lr;
	_ =	strace $0xD0000000  }
0x3: {  	_ = 	snop  }
0x4: {  	_ = 	snop  }
0x5: {  	_ = 	snop  }
0x6: {  	_ = 	snop  }
0x7: {  	_ = 	snop  }
__scs_overlays_trampoline_lowered:
0x8: {  	[smem:$0x3FAB] =	sst s0  }
0x9: {  	[smem:$0x3FAC] =	sst s1  }
0xa: {  	[smem:$0x3FAD] =	sst s2  }
0xb: {  	[smem:$0x3FAE] =	sst s3  }
0xc: {  	[smem:$0x3FAF] =	sst s4  }
0xd: {  	[smem:$0x3FB0] =	sst s5  }
0xe: {  	[smem:$0x3FB1] =	sst s6  }
0xf: {  	[smem:$0x3FB2] =	sst s7  }
0x10: {  	[smem:$0x3FB3] =	sst s8  }
0x11: {  	[smem:$0x3FB4] =	sst s9;
	s0 =	simm.s32 @!p0 $0x0  }
0x12: {  	s1 =	sld [smem:$0x3F9A];
	s0 =	simm.s32 @p0 $0x1  }
0x13: {  	[smem:$0x3FB5] =	sst s0;
	s0 =	simm.s32 @!p1 $0x0  }
0x14: {  	s2 =	sld [smem:$0x3F99];
	s0 =	simm.s32 @p1 $0x1  }
0x15: {  	[smem:$0x3FB6] =	sst s0;
	s0 =	simm.s32 @!p2 $0x0  }
0x16: {  	s3 =	sld [smem:$0x3FDB];
	s0 =	simm.s32 @p2 $0x1  }
0x17: {  	s4 =	simm.s32 $0x1BF5;
	[smem:$0x3FB8] =	sst s0  }
0x18: {  	s0 =	sld [smem:$0x3F9B];
	_ =	swait.ge [sflag:s4], $0x0  }
0x19: {  	s7 =	sld [smem:$0x3F9C]  }
0x1a: {  	s8 =	sadd.s32 $0xFFFFE003, lr  }
0x1b: {  	s9 =	sadd.s32 $0xFFFFFEF7, lr;
	s5 =	simm.s32 $0xFFFFFFFF;
	p2 =	slt.u32 s8, $0xFFFFF086  }
0x1c: {  	p1 =	slt.u32 s9, $0xF7A;
	s5 =	simm.s32 @!p2 $0x0  }
0x1d: {  	s5 =	simm.s32 @p1 $0x1;
	p0 =	seq.s32 s7, s2  }
0x1e: {  	s7 =	smul.u32 @!p0 $0xF7A, s2;
	p2 =	seq.s32 @!p0 s5, $0x0  }
0x1f: {  	s9 =	smul.u32 $0xF7A, s1;
	s8 =	simm.s32 @!p0 $0x1BF5;
	p2 =	por !p2, p0  }
0x20: {  	[sflag:s8] =	ssyncset.s32 @!p0 $0xFFFFF086;
	s6 =	sadd.s32 @!p0 s3, s7;
	s7 =	simm.s32 @!p0 $0x108  }
0x21: {  	s3 =	sadd.s32 s3, s9;
	s6 =	sadd.s32 @!p0 $0x88, s6;
	s7 =	simm.s32 @p2 $0x1082  }
0x22: {  	[simem:s7], [sflag:s8] =	dma.local @!p0 [hbm:s6], $0xF7A  }
0x23: {  	s9 =	sor.u32 $0xD0000000, s2;
	s6 =	simm.s32 $0x108;
	_ =	swait.ge @!p0 [sflag:s8], $0x0  }
0x24: {  	s3 =	sadd.s32 $0x88, s3;
	s6 =	simm.s32 @!p1 $0x1082;
	[sflag:s4] =	ssyncset.s32 $0xFFFFF086  }
0x25: {  	[simem:s6], [sflag:s4] =	dma.local [hbm:s3], $0xF7A  }
0x26: {  	[smem:$0x3F9C] =	sst s1;
	(tag) =	ssettag s2;
	_ =	strace s9  }
0x27: {  	s1 =	sld [smem:$0x3FAC]  }
0x28: {  	s2 =	sld [smem:$0x3FAD]  }
0x29: {  	s4 =	sld [smem:$0x3FAF]  }
0x2a: {  	p0 =	seq.s32 s5, $0x0;
	s5 =	sld [smem:$0x3FB0]  }
0x2b: {  	s6 =	sld [smem:$0x3FB1]  }
0x2c: {  	s7 =	sld [smem:$0x3FB2]  }
0x2d: {  	s3 =	simm.s32 $0x108;
	s8 =	sld [smem:$0x3FB3]  }
0x2e: {  	s3 =	simm.s32 @!p0 $0x1082;
	s9 =	sld [smem:$0x3FB4]  }
0x2f: {  	lr =	sadd.s32 s0, s3;
	s0 =	sld [smem:$0x3FAB]  }
0x30: {  	s3 =	sld [smem:$0x3FAE]  }
0x31: {  	[smem:$0x3FB7] =	sst s10  }
0x32: {  	s10 =	sld [smem:$0x3FB5];
	_ =	sdelay $0x3  }
0x33: {  	p0 =	seq.s32 s10, $0x1;
	s10 =	sld [smem:$0x3FB7];
	_ =	sdelay $0x3  }
0x34: {  	[smem:$0x3FB7] =	sst s10  }
0x35: {  	s10 =	sld [smem:$0x3FB6];
	_ =	sdelay $0x3  }
0x36: {  	p1 =	seq.s32 s10, $0x1;
	s10 =	sld [smem:$0x3FB7];
	_ =	sdelay $0x3  }
0x37: {  	[smem:$0x3FB7] =	sst s10  }
0x38: {  	s10 =	sld [smem:$0x3FB8]  }
0x39: {  	_ = 	snop;
	(pc) =	sbr.ind lr, $3  }
0x3a: {  	_ = 	snop  }
0x3b: {  	_ = 	snop  }
0x3c: {  	p2 =	seq.s32 s10, $0x1;
	s10 =	sld [smem:$0x3FB7]  }
0x3d: {  	_ =	shalt  }
0x3e: {  	_ =	shalt  }
0x3f: {  	_ =	shalt  }
0x40: {  	_ =	shalt  }
0x41: {  	_ =	shalt  }
0x42: {  	_ =	shalt  }
0x43: {  	_ =	shalt  }
0x44: {  	_ =	shalt  }
0x45: {  	_ =	shalt  }
0x46: {  	_ =	shalt  }
0x47: {  	_ =	shalt  }
0x48: {  	_ =	shalt  }
0x49: {  	_ =	shalt  }
0x4a: {  	_ =	shalt  }
0x4b: {  	_ =	shalt  }
0x4c: {  	_ =	shalt  }
0x4d: {  	_ =	shalt  }
0x4e: {  	_ =	shalt  }
0x4f: {  	_ =	shalt  }
0x50: {  	_ =	shalt  }
0x51: {  	_ =	shalt  }
0x52: {  	_ =	shalt  }
0x53: {  	_ =	shalt  }
0x54: {  	_ =	shalt  }
0x55: {  	_ =	shalt  }
0x56: {  	_ =	shalt  }
0x57: {  	_ =	shalt  }
0x58: {  	_ =	shalt  }
0x59: {  	_ =	shalt  }
0x5a: {  	_ =	shalt  }
0x5b: {  	_ =	shalt  }
0x5c: {  	_ =	shalt  }
0x5d: {  	_ =	shalt  }
0x5e: {  	_ =	shalt  }
0x5f: {  	_ =	shalt  }
0x60: {  	_ =	shalt  }
0x61: {  	_ =	shalt  }
0x62: {  	_ =	shalt  }
0x63: {  	_ =	shalt  }
0x64: {  	_ =	shalt  }
0x65: {  	_ =	shalt  }
0x66: {  	_ =	shalt  }
0x67: {  	_ =	shalt  }
0x68: {  	_ =	shalt  }
0x69: {  	_ =	shalt  }
0x6a: {  	_ =	shalt  }
0x6b: {  	_ =	shalt  }
0x6c: {  	_ =	shalt  }
0x6d: {  	_ =	shalt  }
0x6e: {  	_ =	shalt  }
0x6f: {  	_ =	shalt  }
0x70: {  	_ =	shalt  }
0x71: {  	_ =	shalt  }
0x72: {  	_ =	shalt  }
0x73: {  	_ =	shalt  }
0x74: {  	_ =	shalt  }
0x75: {  	_ =	shalt  }
0x76: {  	_ =	shalt  }
0x77: {  	_ =	shalt  }
0x78: {  	_ =	shalt  }
0x79: {  	_ =	shalt  }
0x7a: {  	_ =	shalt  }
0x7b: {  	_ =	shalt  }
0x7c: {  	_ =	shalt  }
0x7d: {  	_ =	shalt  }
0x7e: {  	_ =	shalt  }
0x7f: {  	_ =	shalt  }
0x80: {  	_ =	shalt  }
0x81: {  	_ =	shalt  }
0x82: {  	_ =	shalt  }
0x83: {  	_ =	shalt  }
0x84: {  	_ =	shalt  }
0x85: {  	_ =	shalt  }
0x86: {  	_ =	shalt  }
0x87: {  	_ =	shalt  }
.Lfunc_end0:
.L_simem_size_0:
called_computation_lowered:
.L_overlay_start_0:
0x88: {  	s2 =	sld [smem:$0x3FD9]  }
0x89: {  	s3 =	sld [smem:$0x3FFE];
	_ =	sdelay $0x1  }
0x8a: {  	s1 =	srdreg.scid  }
0x8b: {  	s0 =	sand.u32 $0x1, s1  }
0x8c: {  	s14 =	sshll.u32 s0, $0xA;
	s2 =	sadd.s32 s3, s2  }
0x8d: {  	s2 =	sadd.s32 s2, s14  }
0x8e: {  	[smem:$0x3FC3] =	sst s2  }
0x8f: {  	_ = 	snop  }
0x90: {  	s2 =	sld [smem:$0x3FD0];
	_ =	sdelay $0x2  }
0x91: {  	s15 =	simm.s32 $0xA;
	s4 =	simm.s32 $0x10  }
0x92: {  	[smem:s4], [sflag:s15] =	dma.local [hbm:s2], $0x1  }
0x93: {  	_ =	swait.eq [sflag:s15], $0x1  }
0x94: {  	[sflag:s15] =	ssyncset.done $0x0  }
0x95: {  	s16 =	sld [smem:$0x12];
	[sflag:s15] =	ssyncadd.s32 $0xFFFFFFFF  }
0x96: {  	s17 =	sld [smem:$0x13];
	(tm) =	ssettm $0x1  }
0x97: {  	s18 =	sld [smem:$0x3FFB];
	_ =	sdelay $0x3  }
0x98: {  	_ =	strace s18  }
0x99: {  	s4 =	sld [smem:$0x3FFC];
	_ =	sdelay $0x3  }
0x9a: {  	_ =	strace s4  }
0x9b: {  	s4 =	sld [smem:$0x3FFD];
	_ =	sdelay $0x3  }
0x9c: {  	_ =	strace s4  }
0x9d: {  	_ =	strace $0x8FFFFFFF  }
0x9e: {  	s19 =	sld [smem:$0x3FDB];
	_ =	sdelay $0x1  }
0x9f: {  	s5 =	simm.s32 $_scs_section_size  }
0xa0: {  	s6 =	simm.s32 $_size__tile_overlayer_lowered;
	s7 =	simm.s32 $_tile_overlayer_lowered  }
0xa1: {  	s22 =	simm.s32 $0x1BFF;
	s21 =	sshll.u32 s7, $0x1;
	s4 =	sadd.s32 s5, s19  }
0xa2: {  	s8 =	simm.s32 $0x0;
	s20 =	sshll.u32 s6, $0x1;
	s6 =	sadd.s32 s21, s4  }
0xa3: {  	[timem:s8], [sflag:s22] =	dma.local [hbm:s6], s20  }
0xa4: {  	_ =	swait.ge [sflag:s22], s20  }
0xa5: {  	s5 =	ssub.s32 $0x0, s20;
	[sflag:s22] =	ssyncset.done $0x0  }
0xa6: {  	[sflag:s22] =	ssyncadd.s32 s5;
	_ =	sdelay $0x1  }
0xa7: {  	s23 =	simm.s32 $0x1B8B  }
0xa8: {  	_ =	swait.ge [sflag:s23], $0x1  }
0xa9: {  	[sflag:s23] =	ssyncset.done $0x0  }
0xaa: {  	s25 =	simm.s32 $0x1B8E;
	s24 =	sld [smem:$0x3FFE];
	[sflag:s23] =	ssyncadd.s32 $0xFFFFFFFF  }
0xab: {  	s26 =	simm.s32 $execute0_lowered;
	[smem:$0x3FD2] =	sst s25  }
0xac: {  	s6 =	sshll.u32 s26, $0x1;
	_ =	strace $0x80000046;
	[dreg:$0x1] =	wrdreg $0xFFFFFFFF  }
0xad: {  	s28 =	simm.s32 $_size_execute0_lowered;
	s4 =	sadd.s32 s4, s6;
	[dreg:$0x0] =	wrdreg $0x0  }
0xae: {  	s6 =	sshll.u32 s28, $0x1;
	[dreg:$0x2] =	wrdreg s4  }
0xaf: {  	[dreg:$0x3] =	wrdreg s6  }
0xb0: {  	[dreg:$0x4] =	wrdreg $0xC0  }
0xb1: {  	_ =	task [dreg:s8], $0x5FFFF  }
0xb2: {  	[dreg:$0x1] =	wrdreg $0xFFFFFFFF  }
0xb3: {  	[dreg:$0x0] =	wrdreg $0x60  }
0xb4: {  	[dreg:$0x2] =	wrdreg s24  }
0xb5: {  	[dreg:$0x3] =	wrdreg s17  }
0xb6: {  	[dreg:$0x4] =	wrdreg s16  }
0xb7: {  	[dreg:$0x5] =	wrdreg $0x9  }
0xb8: {  	_ =	task.clear_ibuf [dreg:s8], $0x6FFFF;
	_ =	strace $0x90000046  }
0xb9: {  	s29 =	simm.s32 $0x9;
	_ =	strace $0x80000048  }
0xba: {  	_ =	swait.ge [sflag:s29], $0x1  }
0xbb: {  	[sflag:s29] =	ssyncadd.s32 $0xFFFFFFFF  }
0xbc: {  	_ =	strace $0x90000048  }
0xbd: {  	_ =	sfence  }
0xbe: {  	s30 =	sld [smem:$0x0];
	_ =	sdelay $0x2  }
0xbf: {  	s31 =	sshll.u32 s1, $0xD;
	s1 =	sshrl.u32 s1, $0x2  }
0xc0: {  	s3 =	sand.u32 $0x4000, s31;
	s1 =	sadd.s32 s1, s30  }
0xc1: {  	s0 =	sor.u32 s3, s0;
	s1 =	sshll.u32 s1, $0x11  }
0xc2: {  	s0 =	sor.u32 s1, s0  }
0xc3: {  	s0 =	sadd.s32 $0x8F2B, s0  }
0xc4: {  	[sflag:s0] =	ssyncadd.remote.s32 $0x1  }
0xc5: {  	_ =	sfence.sel $0xFFFF  }
0xc6: {  	[dreg:$0x0] =	wrdreg $0xFFFFFFFF;
	(pc) =	sbr.abs _section_cstart, $3  }
0xc7: {  	[dreg:$0x1] =	wrdreg $0xFFFFFFFF  }
0xc8: {  	_ =	task.clear_ibuf [dreg:s8], $0x2FFFF;
	_ =	strace $0x9FFFFFFF  }
0xc9: {  	(tm) =	ssettm $0x7FFFFFFF  }
tec
execute0_lowered:
.L_overlay_start_1:
0x0: {  	(tag) =	ssettag $0x1  }
0x1: {  	s1 =	srdreg.scid;
	s0 =	stileid.u32  }
0x2: {  	s16 =	rddreg [dreg:$0x0];
	s19 =	sand.u32 $0x1, s1;
	s28 =	sshll.u32 s0, $0x1  }
0x3: {  	s17 =	rddreg [dreg:$0x1];
	s20 =	sor.u32 s19, s28  }
0x4: {  	s18 =	rddreg [dreg:$0x2];
	s21 =	smul.u32 $0xA0, s20  }
0x5: {  	s2 =	simm.s32 $0x0;
	s1 =	rddreg [dreg:$0x3]  }
0x6: {  	[smem:$0x7FF] =	sst s2;
	s3 =	sshrl.u32 s21, $0x3  }
0x7: {  	_ =	strace $0x80000047;
	s4 =	sadd.s32 s17, s3;
	s3 =	simm.s32 $0x4  }
0x8: {  	[tilespmem:s2], [sflag:$0x4] =	stream.linear.gather [hbm4b:s4+s2], $0x50, $0x38;
	[tilespmem:$0x2D50] =	vst v63  }
0x9: {  	_ =	swait.ge [sflag:s3], $0x50  }
0xa: {  	[sflag:s3] =	ssyncset.done $0x0  }
0xb: {  	s6 =	simm.s32 $0x50;
	s5 =	sadd.s32 $0x18A200, s16;
	[sflag:s3] =	ssyncadd.s32 $0xFFFFFFB0  }
0xc: {  	[tilespmem:s6], [sflag:$0x1] =	stream.indirect.gather [hbm4b:s5+s6], $0x40, s2, s6, $0xb8;
	[tilespmem:$0x2D50] =	vst v63  }
0xd: {  	s8 =	simm.s32 $0x1450;
	s7 =	sadd.s32 $0x38600, s16  }
0xe: {  	[tilespmem:s8], [sflag:$0x2] =	stream.indirect.gather [hbm4b:s7+s6], $0x40, s2, s6, $0xb8;
	[tilespmem:$0x2D50] =	vst v63  }
0xf: {  	s10 =	simm.s32 $0x2850;
	s11 =	simm.s32 $0x1;
	s9 =	sadd.s32 $0x7800, s16  }
0x10: {  	[tilespmem:s10], [sflag:$0x3] =	stream.indirect.gather [hbm4b:s9+s6], $0x10, s2, s6, $0xb8;
	[tilespmem:$0x2D50] =	vst v63  }
0x11: {  	_ =	swait.ge [sflag:s11], $0x1400  }
0x12: {  	[sflag:s11] =	ssyncset.done $0x0  }
0x13: {  	s12 =	simm.s32 $0x2;
	[sflag:s11] =	ssyncadd.s32 $0xFFFFEC00  }
0x14: {  	_ =	swait.ge [sflag:s12], $0x1400  }
0x15: {  	[sflag:s12] =	ssyncset.done $0x0  }
0x16: {  	s13 =	simm.s32 $0x3;
	[sflag:s12] =	ssyncadd.s32 $0xFFFFEC00  }
0x17: {  	s15 =	smul.u32 $0x500, s20;
	_ =	swait.ge [sflag:s13], $0x500  }
0x18: {  	[sflag:s13] =	ssyncset.done $0x0  }
0x19: {  	s14 =	sadd.s32 s18, s15;
	[sflag:s13] =	ssyncadd.s32 $0xFFFFFB00  }
0x1a: {  	[hbm4b:s14+s2] =	stream.linear.scatter [tilespmem:s6], [sflag:$0x4], $0x1400, $0x38;
	[tilespmem:$0x2D50] =	vst v63  }
0x1b: {  	_ =	swait.ge [sflag:s3], $0x1400  }
0x1c: {  	s22 =	sadd.s32 $0xFBC00, s16;
	[sflag:s3] =	ssyncset.done $0x0  }
0x1d: {  	s15 =	sadd.s32 s22, s15;
	[sflag:s3] =	ssyncadd.s32 $0xFFFFEC00  }
0x1e: {  	[hbm4b:s15+s2] =	stream.linear.scatter [tilespmem:s8], [sflag:$0x4], $0x1400, $0x38;
	[tilespmem:$0x2D50] =	vst v63  }
0x1f: {  	s20 =	smul.u32 $0x140, s20;
	_ =	swait.ge [sflag:s3], $0x1400  }
0x20: {  	s23 =	sadd.s32 $0x105C00, s16;
	[sflag:s3] =	ssyncset.done $0x0  }
0x21: {  	s16 =	sadd.s32 s23, s20;
	[sflag:s3] =	ssyncadd.s32 $0xFFFFEC00  }
0x22: {  	[hbm4b:s16+s2] =	stream.linear.scatter [tilespmem:s10], [sflag:$0x4], $0x500, $0x38;
	[tilespmem:$0x2D50] =	vst v63  }
0x23: {  	s29 =	sadd.s32 $0x50, s21;
	_ =	swait.ge [sflag:s3], $0x500  }
0x24: {  	s21 =	sshrl.u32 s29, $0x3;
	[sflag:s3] =	ssyncset.done $0x0  }
0x25: {  	s17 =	sadd.s32 s17, s21;
	[sflag:s3] =	ssyncadd.s32 $0xFFFFFB00  }
0x26: {  	[tilespmem:s2], [sflag:$0x4] =	stream.linear.gather [hbm4b:s17+s2], $0x50, $0x38;
	[tilespmem:$0x2D50] =	vst v63  }
0x27: {  	_ =	swait.ge [sflag:s3], $0x50  }
0x28: {  	[sflag:s3] =	ssyncset.done $0x0  }
0x29: {  	[sflag:s3] =	ssyncadd.s32 $0xFFFFFFB0  }
0x2a: {  	[tilespmem:s6], [sflag:$0x1] =	stream.indirect.gather [hbm4b:s5+s6], $0x40, s2, s6, $0xb8;
	[tilespmem:$0x2D50] =	vst v63  }
0x2b: {  	_ = 	snop  }
0x2c: {  	[tilespmem:s8], [sflag:$0x2] =	stream.indirect.gather [hbm4b:s7+s6], $0x40, s2, s6, $0xb8;
	[tilespmem:$0x2D50] =	vst v63  }
0x2d: {  	_ = 	snop  }
0x2e: {  	[tilespmem:s10], [sflag:$0x3] =	stream.indirect.gather [hbm4b:s9+s6], $0x10, s2, s6, $0xb8;
	[tilespmem:$0x2D50] =	vst v63  }
0x2f: {  	_ =	swait.ge [sflag:s11], $0x1400  }
0x30: {  	[sflag:s11] =	ssyncset.done $0x0  }
0x31: {  	[sflag:s11] =	ssyncadd.s32 $0xFFFFEC00  }
0x32: {  	_ =	swait.ge [sflag:s12], $0x1400  }
0x33: {  	[sflag:s12] =	ssyncset.done $0x0  }
0x34: {  	[sflag:s12] =	ssyncadd.s32 $0xFFFFEC00  }
0x35: {  	_ =	swait.ge [sflag:s13], $0x500  }
0x36: {  	s30 =	sshll.u32 s29, $0x3;
	[sflag:s13] =	ssyncset.done $0x0  }
0x37: {  	s24 =	ssub.s32 $0x2, s19;
	s18 =	sadd.s32 s18, s30;
	[sflag:s13] =	ssyncadd.s32 $0xFFFFFB00  }
0x38: {  	[hbm4b:s18+s2] =	stream.linear.scatter [tilespmem:s6], [sflag:$0x4], $0x1400, $0x38;
	[tilespmem:$0x2D50] =	vst v63  }
0x39: {  	s31 =	sshrl.u32 s24, $0x1;
	_ =	swait.ge [sflag:s3], $0x1400  }
0x3a: {  	s21 =	ssub.s32 s24, s31;
	[sflag:s3] =	ssyncset.done $0x0  }
0x3b: {  	s19 =	sadd.s32 s22, s30;
	s21 =	smax.u32 s21, $0x1;
	[sflag:s3] =	ssyncadd.s32 $0xFFFFEC00  }
0x3c: {  	[hbm4b:s19+s2] =	stream.linear.scatter [tilespmem:s8], [sflag:$0x4], $0x1400, $0x38;
	[tilespmem:$0x2D50] =	vst v63  }
0x3d: {  	p0 =	sne.s32 s21, $0x1;
	_ =	swait.ge [sflag:s3], $0x1400  }
.Ltmp0:
0x3e: {  	s20 =	sshll.u32 s29, $0x1;
	[sflag:s3] =	ssyncset.done $0x0;
	(pc) =	sbr.rel @!p0 .LBB2_2-.Ltmp0, $4  }
0x3f: {  	s20 =	sadd.s32 s23, s20;
	[sflag:s3] =	ssyncadd.s32 $0xFFFFEC00  }
0x40: {  	[hbm4b:s20+s2] =	stream.linear.scatter [tilespmem:s10], [sflag:$0x4], $0x500, $0x38;
	[tilespmem:$0x2D50] =	vst v63  }
0x41: {  	_ =	swait.ge [sflag:s3], $0x500  }
0x42: {  	s21 =	sadd.s32 $0xFFFFFFFF, s21;
	[sflag:s3] =	ssyncset.done $0x0  }
.LBB2_1:
0x43: {  	p0 =	sne.s32 s21, $0x1;
	s21 =	sadd.s32 $0xFFFFFFFF, s21;
	[sflag:s3] =	ssyncadd.s32 $0xFFFFFB00  }
0x44: {  	[tilespmem:s2], [sflag:$0x4] =	stream.linear.gather [hbm4b:s4+s2], $0x50, $0x38;
	[tilespmem:$0x2D50] =	vst v63  }
0x45: {  	_ =	swait.ge [sflag:s3], $0x50  }
0x46: {  	[sflag:s3] =	ssyncset.done $0x0  }
0x47: {  	[sflag:s3] =	ssyncadd.s32 $0xFFFFFFB0  }
0x48: {  	[tilespmem:s6], [sflag:$0x1] =	stream.indirect.gather [hbm4b:s5+s6], $0x40, s2, s6, $0xb8;
	[tilespmem:$0x2D50] =	vst v63  }
0x49: {  	_ = 	snop  }
0x4a: {  	[tilespmem:s8], [sflag:$0x2] =	stream.indirect.gather [hbm4b:s7+s6], $0x40, s2, s6, $0xb8;
	[tilespmem:$0x2D50] =	vst v63  }
0x4b: {  	_ = 	snop  }
0x4c: {  	[tilespmem:s10], [sflag:$0x3] =	stream.indirect.gather [hbm4b:s9+s6], $0x10, s2, s6, $0xb8;
	[tilespmem:$0x2D50] =	vst v63  }
0x4d: {  	_ =	swait.ge [sflag:s11], $0x1400  }
0x4e: {  	[sflag:s11] =	ssyncset.done $0x0  }
0x4f: {  	[sflag:s11] =	ssyncadd.s32 $0xFFFFEC00  }
0x50: {  	_ =	swait.ge [sflag:s12], $0x1400  }
0x51: {  	[sflag:s12] =	ssyncset.done $0x0  }
0x52: {  	[sflag:s12] =	ssyncadd.s32 $0xFFFFEC00  }
0x53: {  	_ =	swait.ge [sflag:s13], $0x500  }
0x54: {  	[sflag:s13] =	ssyncset.done $0x0  }
0x55: {  	[sflag:s13] =	ssyncadd.s32 $0xFFFFFB00  }
0x56: {  	[hbm4b:s14+s2] =	stream.linear.scatter [tilespmem:s6], [sflag:$0x4], $0x1400, $0x38;
	[tilespmem:$0x2D50] =	vst v63  }
0x57: {  	_ =	swait.ge [sflag:s3], $0x1400  }
0x58: {  	[sflag:s3] =	ssyncset.done $0x0  }
0x59: {  	[sflag:s3] =	ssyncadd.s32 $0xFFFFEC00  }
0x5a: {  	[hbm4b:s15+s2] =	stream.linear.scatter [tilespmem:s8], [sflag:$0x4], $0x1400, $0x38;
	[tilespmem:$0x2D50] =	vst v63  }
0x5b: {  	_ =	swait.ge [sflag:s3], $0x1400  }
0x5c: {  	[sflag:s3] =	ssyncset.done $0x0  }
0x5d: {  	[sflag:s3] =	ssyncadd.s32 $0xFFFFEC00  }
0x5e: {  	[hbm4b:s16+s2] =	stream.linear.scatter [tilespmem:s10], [sflag:$0x4], $0x500, $0x38;
	[tilespmem:$0x2D50] =	vst v63  }
0x5f: {  	_ =	swait.ge [sflag:s3], $0x500  }
0x60: {  	[sflag:s3] =	ssyncset.done $0x0  }
0x61: {  	[sflag:s3] =	ssyncadd.s32 $0xFFFFFB00  }
0x62: {  	[tilespmem:s2], [sflag:$0x4] =	stream.linear.gather [hbm4b:s17+s2], $0x50, $0x38;
	[tilespmem:$0x2D50] =	vst v63  }
0x63: {  	_ =	swait.ge [sflag:s3], $0x50  }
0x64: {  	[sflag:s3] =	ssyncset.done $0x0  }
0x65: {  	[sflag:s3] =	ssyncadd.s32 $0xFFFFFFB0  }
0x66: {  	[tilespmem:s6], [sflag:$0x1] =	stream.indirect.gather [hbm4b:s5+s6], $0x40, s2, s6, $0xb8;
	[tilespmem:$0x2D50] =	vst v63  }
0x67: {  	_ = 	snop  }
0x68: {  	[tilespmem:s8], [sflag:$0x2] =	stream.indirect.gather [hbm4b:s7+s6], $0x40, s2, s6, $0xb8;
	[tilespmem:$0x2D50] =	vst v63  }
0x69: {  	_ = 	snop  }
0x6a: {  	[tilespmem:s10], [sflag:$0x3] =	stream.indirect.gather [hbm4b:s9+s6], $0x10, s2, s6, $0xb8;
	[tilespmem:$0x2D50] =	vst v63  }
0x6b: {  	_ =	swait.ge [sflag:s11], $0x1400  }
0x6c: {  	[sflag:s11] =	ssyncset.done $0x0  }
0x6d: {  	[sflag:s11] =	ssyncadd.s32 $0xFFFFEC00  }
0x6e: {  	_ =	swait.ge [sflag:s12], $0x1400  }
0x6f: {  	[sflag:s12] =	ssyncset.done $0x0  }
0x70: {  	[sflag:s12] =	ssyncadd.s32 $0xFFFFEC00  }
0x71: {  	_ =	swait.ge [sflag:s13], $0x500  }
0x72: {  	[sflag:s13] =	ssyncset.done $0x0  }
0x73: {  	[sflag:s13] =	ssyncadd.s32 $0xFFFFFB00  }
0x74: {  	[hbm4b:s18+s2] =	stream.linear.scatter [tilespmem:s6], [sflag:$0x4], $0x1400, $0x38;
	[tilespmem:$0x2D50] =	vst v63  }
0x75: {  	_ =	swait.ge [sflag:s3], $0x1400  }
0x76: {  	[sflag:s3] =	ssyncset.done $0x0  }
0x77: {  	[sflag:s3] =	ssyncadd.s32 $0xFFFFEC00  }
0x78: {  	[hbm4b:s19+s2] =	stream.linear.scatter [tilespmem:s8], [sflag:$0x4], $0x1400, $0x38;
	[tilespmem:$0x2D50] =	vst v63  }
0x79: {  	_ =	swait.ge [sflag:s3], $0x1400  }
.Ltmp1:
0x7a: {  	[sflag:s3] =	ssyncset.done $0x0;
	(pc) =	sbr.rel @p0 .LBB2_1-.Ltmp1, $4  }
0x7b: {  	[sflag:s3] =	ssyncadd.s32 $0xFFFFEC00  }
0x7c: {  	[hbm4b:s20+s2] =	stream.linear.scatter [tilespmem:s10], [sflag:$0x4], $0x500, $0x38;
	[tilespmem:$0x2D50] =	vst v63  }
0x7d: {  	_ =	swait.ge [sflag:s3], $0x500  }
0x7e: {  	[sflag:s3] =	ssyncset.done $0x0  }
.LBB2_2:
0x7f: {  	[sflag:s3] =	ssyncadd.s32 $0xFFFFFB00  }
0x80: {  	_ =	sfence.sel $0x180000  }
0x81: {  	[bflag:$0x0] =	sbarrier.arrive $0xFFFF  }
0x82: {  	p0 =	sne.s32 s0, $0x0;
	_ =	strace $0x90000047  }
0x83: {  	s0 =	sadd.s32 @!p0 $0x100000, s1;
	[bflag:$0x2] =	sbarrier.arrive $0xFFFF  }
0x84: {  	[sflag:s0] =	ssyncadd.tile.s32 @!p0 $0x1;
	_ =	shalt  }
.Lfunc_end2:
_tile_overlayer_lowered:
.L_overlay_start_2:
0x85: {  	(tag) =	ssettag $0x2  }
0x86: {  	s0 =	rddreg [dreg:$0x0];
	s2 =	stileid.u32  }
0x87: {  	s1 =	rddreg [dreg:$0x1];
	p0 =	sne.s32 s2, $0x0  }
0x88: {  	s3 =	rddreg [dreg:$0x2];
	[bflag:$0x3] =	sbarrier.arrive $0xFFFF;
	s2 =	simm.s32 @!p0 $0x1C04  }
0x89: {  	[timem:s3], [sflag:s2] =	dma.local @!p0 [hbm:s0], s1  }
0x8a: {  	s0 =	simm.s32 @!p0 $0x4  }
0x8b: {  	_ =	swait.ge @!p0 [sflag:s0], s1  }
0x8c: {  	s1 =	ssub.s32 @!p0 $0x0, s1;
	[sflag:s0] =	ssyncset.done @!p0 $0x0  }
0x8d: {  	[sflag:s0] =	ssyncadd.s32 @!p0 s1  }
0x8e: {  	[bflag:$0x3] =	sbarrier.arrive $0xFFFF  }
0x8f: {  	_ =	shalt  }

</sc_bundles>
